<compile_context>
chip_gen: v7x
topology: tpu7x:2x2x1
jax: 0.10.2.dev20260603
libtpu: 0.0.44.dev20260713+nightly
codegen_flags: <defaults>
</compile_context>

<pallas_src>
import functools

import jax
import jax.numpy as jnp
from jax import lax
from jax.experimental import pallas as pl
from jax.experimental.pallas import tpu as pltpu
from jax.experimental.pallas import tpu_sc as plsc

_N = 200000
_C = 256
_H = 128
_W = 128
_HW = _H * _W
_VOXEL_X = 0.1
_VOXEL_Y = 0.1
_PCR_X = -51.2
_PCR_Y = -51.2

_NC = 2
_NS = 16
_NW = _NC * _NS
_LANES = 16

_CHUNK = 32
_ROWS = 8 * _CHUNK
_PTS_PER_W = 6400
_N_PAD = 204800
_KMAX = 24


def _floor_i32(v):
    t = v.astype(jnp.int32)
    return jnp.where(t.astype(jnp.float32) > v, t - 1, t)


def _sc_gather(x_hbm, y_hbm, tbl_hbm, out_hbm, xv, yv, idxv, gv, sem, sem_w):
    wid = lax.axis_index("s") * _NC + lax.axis_index("c")
    base = wid * _PTS_PER_W
    nchunks = jnp.where(wid < _NW - 1, _PTS_PER_W // _CHUNK, 50)

    pltpu.sync_copy(x_hbm.at[pl.ds(base, _PTS_PER_W)], xv)
    pltpu.sync_copy(y_hbm.at[pl.ds(base, _PTS_PER_W)], yv)

    def chunk_body(ci, outst):
        off = ci * _CHUNK
        poff = jnp.maximum(off - _CHUNK, 0)
        macc = None
        for g in range(_CHUNK // _LANES):
            o = g * _LANES
            mx = jnp.where(xv[pl.ds(off + o, _LANES)]
                           != xv[pl.ds(poff + o, _LANES)], 1, 0)
            my = jnp.where(yv[pl.ds(off + o, _LANES)]
                           != yv[pl.ds(poff + o, _LANES)], 1, 0)
            m = mx + my
            macc = m if macc is None else (macc + m)
        nmis = macc[0]
        for _l in range(1, _LANES):
            nmis = nmis + macc[_l]
        same = (ci > 0) & (nmis == 0)

        def _wait_one_wb():
            pltpu.make_async_copy(out_hbm.at[pl.ds(0, _CHUNK)],
                                  gv.at[pl.ds(0, _CHUNK)], sem_w).wait()

        def _gather(outst):
            def _d(j, c):
                _wait_one_wb()
                return c
            lax.fori_loop(0, outst, _d, 0)
            for g in range(_CHUNK // _LANES):
                o = g * _LANES
                xg = xv[pl.ds(off + o, _LANES)]
                yg = yv[pl.ds(off + o, _LANES)]
                x0 = _floor_i32(xg)
                y0 = _floor_i32(yg)
                x0c = jnp.clip(x0, 0, _W - 1)
                x1c = jnp.clip(x0 + 1, 0, _W - 1)
                y0c = jnp.clip(y0, 0, _H - 1)
                y1c = jnp.clip(y0 + 1, 0, _H - 1)
                ia = y0c * _W + x0c
                ib = y1c * _W + x0c
                ic = y0c * _W + x1c
                id_ = y1c * _W + x1c
                idxv[pl.ds(0 * _CHUNK + o, _LANES)] = ia
                idxv[pl.ds(1 * _CHUNK + o, _LANES)] = ib
                idxv[pl.ds(2 * _CHUNK + o, _LANES)] = ic
                idxv[pl.ds(3 * _CHUNK + o, _LANES)] = id_
                idxv[pl.ds(4 * _CHUNK + o, _LANES)] = ia + _HW
                idxv[pl.ds(5 * _CHUNK + o, _LANES)] = ib + _HW
                idxv[pl.ds(6 * _CHUNK + o, _LANES)] = ic + _HW
                idxv[pl.ds(7 * _CHUNK + o, _LANES)] = id_ + _HW
            cp = pltpu.async_copy(tbl_hbm.at[idxv], gv, sem)
            cp.wait()
            return jnp.int32(0)

        outst = lax.cond(same, lambda o: o, _gather, outst)

        for k in range(8):
            pltpu.async_copy(gv.at[pl.ds(k * _CHUNK, _CHUNK)],
                             out_hbm.at[pl.ds(k * _N + base + off, _CHUNK)],
                             sem_w)
        outst = outst + 8

        nwait = jnp.maximum(outst - _KMAX, 0)
        def _thr(j, c):
            _wait_one_wb()
            return c
        lax.fori_loop(0, nwait, _thr, 0)
        return outst - nwait

    outst = lax.fori_loop(0, nchunks, chunk_body, jnp.int32(0))
    def _dfin(j, c):
        pltpu.make_async_copy(out_hbm.at[pl.ds(0, _CHUNK)],
                              gv.at[pl.ds(0, _CHUNK)], sem_w).wait()
        return c
    lax.fori_loop(0, outst, _dfin, 0)


def kernel(points, temporal_features, spatial_features, W_lin, bn_gamma, bn_beta, batch_size, spatial_features_stride):
    x = (points[:, 1] - _PCR_X) / _VOXEL_X / spatial_features_stride
    y = (points[:, 2] - _PCR_Y) / _VOXEL_Y / spatial_features_stride
    xp = jnp.pad(x, (0, _N_PAD - _N))
    yp = jnp.pad(y, (0, _N_PAD - _N))
    tbl = jnp.concatenate(
        [temporal_features[0].reshape(_C, _HW).T,
         spatial_features[0].reshape(_C, _HW).T], axis=0)

    sc_call = functools.partial(
        pl.kernel,
        out_type=jax.ShapeDtypeStruct((_N * 8, _C), jnp.float32),
        mesh=plsc.VectorSubcoreMesh(core_axis_name="c", subcore_axis_name="s"),
        scratch_types=[
            pltpu.VMEM((_PTS_PER_W,), jnp.float32),
            pltpu.VMEM((_PTS_PER_W,), jnp.float32),
            pltpu.VMEM((_ROWS,), jnp.int32),
            pltpu.VMEM((_ROWS, _C), jnp.float32),
            pltpu.SemaphoreType.DMA,
            pltpu.SemaphoreType.DMA,
        ],
    )
    gathered = sc_call(_sc_gather)(xp, yp, tbl)
    G = gathered.reshape(8, _N, _C)
    Iat, Ibt, Ict, Idt, Ias, Ibs, Ics, Ids = (G[k] for k in range(8))

    x0 = jnp.floor(x).astype(jnp.int32)
    x1 = x0 + 1
    y0 = jnp.floor(y).astype(jnp.int32)
    y1 = y0 + 1
    x0c = jnp.clip(x0, 0, _W - 1)
    x1c = jnp.clip(x1, 0, _W - 1)
    y0c = jnp.clip(y0, 0, _H - 1)
    y1c = jnp.clip(y1, 0, _H - 1)
    wa = (x1c.astype(x.dtype) - x) * (y1c.astype(y.dtype) - y)
    wb = (x1c.astype(x.dtype) - x) * (y - y0c.astype(y.dtype))
    wc = (x - x0c.astype(x.dtype)) * (y1c.astype(y.dtype) - y)
    wd = (x - x0c.astype(x.dtype)) * (y - y0c.astype(y.dtype))
    feats = []
    for Ia, Ib, Ic, Id in ((Iat, Ibt, Ict, Idt), (Ias, Ibs, Ics, Ids)):
        feats.append(Ia * wa[:, None] + Ib * wb[:, None]
                     + Ic * wc[:, None] + Id * wd[:, None])
    pf = jnp.concatenate(feats, axis=-1)

    h = pf @ W_lin
    mean = jnp.mean(h, axis=0)
    var = jnp.var(h, axis=0)
    h = (h - mean) / jnp.sqrt(var + 1e-5) * bn_gamma + bn_beta
    return jax.nn.relu(h)

# --- scband reference (transcript-rebuilt; emitter-appended) ---
"""Pipeline reference for scband-bevfeatures-interpolation-85667417686497 (READ-ONLY COPY).

The authoritative reference and input builder live on the scoring server;
editing this copy changes nothing except your own understanding.
"""

import jax, jax.numpy as jnp
import numpy as np

N = 200000
C = 256
H = 128
W = 128
NUM_OUT = 128
VOXEL_X = 0.1
VOXEL_Y = 0.1
PCR_X = -51.2
PCR_Y = -51.2


def bilinear_interpolate(im, x, y):
    # im: (H, W, C), x/y: (N,) float coords
    x0 = jnp.floor(x).astype(jnp.int32)
    x1 = x0 + 1
    y0 = jnp.floor(y).astype(jnp.int32)
    y1 = y0 + 1
    x0c = jnp.clip(x0, 0, im.shape[1] - 1)
    x1c = jnp.clip(x1, 0, im.shape[1] - 1)
    y0c = jnp.clip(y0, 0, im.shape[0] - 1)
    y1c = jnp.clip(y1, 0, im.shape[0] - 1)
    Ia = im[y0c, x0c]
    Ib = im[y1c, x0c]
    Ic = im[y0c, x1c]
    Id = im[y1c, x1c]
    # weights use the clamped indices exactly as the torch code does (torch clamps in-place
    # before computing weights)
    wa = (x1c.astype(x.dtype) - x) * (y1c.astype(y.dtype) - y)
    wb = (x1c.astype(x.dtype) - x) * (y - y0c.astype(y.dtype))
    wc = (x - x0c.astype(x.dtype)) * (y1c.astype(y.dtype) - y)
    wd = (x - x0c.astype(x.dtype)) * (y - y0c.astype(y.dtype))
    return Ia * wa[:, None] + Ib * wb[:, None] + Ic * wc[:, None] + Id * wd[:, None]


def _forward(points, temporal_features, spatial_features, W_lin, bn_gamma, bn_beta, bev_stride):
    # batch_size = 1; all points belong to sample 0, so the per-batch masking loop
    # reduces to processing all points against bev[0].
    feats = []
    for bev in (temporal_features, spatial_features):
        x_idxs = (points[:, 1] - PCR_X) / VOXEL_X / bev_stride
        y_idxs = (points[:, 2] - PCR_Y) / VOXEL_Y / bev_stride
        im = jnp.transpose(bev[0], (1, 2, 0))  # (H, W, C)
        feats.append(bilinear_interpolate(im, x_idxs, y_idxs))
    pf = jnp.concatenate(feats, axis=-1)  # (N, 2C)
    h = pf @ W_lin  # Linear, bias=False
    # BatchNorm1d (training mode, biased variance)
    mean = jnp.mean(h, axis=0)
    var = jnp.var(h, axis=0)
    h = (h - mean) / jnp.sqrt(var + 1e-5) * bn_gamma + bn_beta
    return jax.nn.relu(h)


def setup_inputs(seed: int = 0):
    key = jax.random.key(seed)
    k1, k2, k3 = jax.random.split(key, 3)
    points = jnp.zeros((N, 5), jnp.float32)  # (batch_idx, x, y, z, intensity)
    temporal_features = jax.random.normal(k1, (1, C, H, W), jnp.float32)
    spatial_features = jax.random.normal(k2, (1, C, H, W), jnp.float32)
    W_lin = jax.random.normal(k3, (2 * C, NUM_OUT), jnp.float32) * 0.02
    bn_gamma = jnp.ones((NUM_OUT,), jnp.float32)
    bn_beta = jnp.zeros((NUM_OUT,), jnp.float32)
    return {
        "points": points,
        "temporal_features": temporal_features,
        "spatial_features": spatial_features,
        "W_lin": W_lin,
        "bn_gamma": bn_gamma,
        "bn_beta": bn_beta,
        "batch_size": 1,
        "spatial_features_stride": 8,
    }


def reference(points, temporal_features, spatial_features, W_lin, bn_gamma, bn_beta, batch_size, spatial_features_stride):
    return _forward(points, temporal_features, spatial_features, W_lin, bn_gamma, bn_beta, spatial_features_stride)

if __name__ == "__main__":
    import jax
    _d = setup_inputs()
    print(jax.jit(kernel)(*tuple(_d.values())))

</pallas_src>

<mosaic_0001>
#map = affine_map<(d0, d1) -> (0)>
#map1 = affine_map<(d0, d1) -> (0, 0)>
module attributes {stable_mosaic.version = 14 : i64} {
  func.func @_sc_gather(%arg0: i32, %arg1: i32, %arg2: memref<204800xf32, #tpu.memory_space<hbm>>, %arg3: memref<204800xf32, #tpu.memory_space<hbm>>, %arg4: memref<32768x256xf32, #tpu.memory_space<hbm>>, %arg5: memref<1600000x256xf32, #tpu.memory_space<hbm>>, %arg6: memref<6400xf32, #tpu.memory_space<vmem>>, %arg7: memref<6400xf32, #tpu.memory_space<vmem>>, %arg8: memref<256xi32, #tpu.memory_space<vmem>>, %arg9: memref<256x256xf32, #tpu.memory_space<vmem>>, %arg10: memref<!tpu.dma_semaphore, #tpu.memory_space<semaphore_mem>>, %arg11: memref<!tpu.dma_semaphore, #tpu.memory_space<semaphore_mem>>) attributes {dimension_semantics = [#tpu.dimension_semantics<core_parallel>, #tpu.dimension_semantics<subcore_parallel>], iteration_bounds = array<i64: 2, 16>, scalar_prefetch = 0 : i64, scratch_operands = 6 : i64, tpu.core_type = #tpu.core_type<sc_vector_subcore>, window_params = [{transform_indices = #map}, {transform_indices = #map}, {transform_indices = #map1}, {transform_indices = #map1}]} {
    %mul3A = arith.constant 2 : i32
    %mul3A_0 = arith.muli %arg1, %mul3A : i32
    %add3A = arith.addi %mul3A_0, %arg0 : i32
    %mul3A_1 = arith.constant 6400 : i32
    %mul3A_2 = arith.muli %add3A, %mul3A_1 : i32
    %lt3A = arith.constant 31 : i32
    %lt3A_3 = arith.cmpi slt, %add3A, %lt3A : i32
    %jit3A = arith.constant 200 : i32
    %jit3A_4 = arith.constant 50 : i32
    %select_n3A = arith.select %lt3A_3, %jit3A, %jit3A_4 : i32
    "tpu.region"() ({
      %run_scoped3A = tpu.sem_alloc : memref<!tpu.dma_semaphore, #tpu.memory_space<semaphore_mem>>
      %dma_start3A = tpu.memref_slice %arg2[%mul3A_2] : memref<204800xf32, #tpu.memory_space<hbm>> -> memref<6400xf32, #tpu.memory_space<hbm>>
      %dma_start3A_26 = tpu.memref_slice %arg2[%mul3A_2] : memref<204800xf32, #tpu.memory_space<hbm>> -> memref<6400xf32, #tpu.memory_space<hbm>>
      tpu.enqueue_dma source(%dma_start3A_26 : memref<6400xf32, #tpu.memory_space<hbm>>) target(%arg6 : memref<6400xf32, #tpu.memory_space<vmem>>) target_semaphore(%run_scoped3A : memref<!tpu.dma_semaphore, #tpu.memory_space<semaphore_mem>>)
      %dma_wait3A = tpu.memref_slice %arg2[%mul3A_2] : memref<204800xf32, #tpu.memory_space<hbm>> -> memref<6400xf32, #tpu.memory_space<hbm>>
      %dma_wait3A_27 = tpu.memref_slice %arg2[%mul3A_2] : memref<204800xf32, #tpu.memory_space<hbm>> -> memref<6400xf32, #tpu.memory_space<hbm>>
      tpu.wait_dma2 semaphore(%run_scoped3A : memref<!tpu.dma_semaphore, #tpu.memory_space<semaphore_mem>>) src(%dma_wait3A_27 : memref<6400xf32, #tpu.memory_space<hbm>>) dst(%arg6 : memref<6400xf32, #tpu.memory_space<vmem>>)
      tpu.yield
    }) : () -> ()
    "tpu.region"() ({
      %run_scoped3A = tpu.sem_alloc : memref<!tpu.dma_semaphore, #tpu.memory_space<semaphore_mem>>
      %dma_start3A = tpu.memref_slice %arg3[%mul3A_2] : memref<204800xf32, #tpu.memory_space<hbm>> -> memref<6400xf32, #tpu.memory_space<hbm>>
      %dma_start3A_26 = tpu.memref_slice %arg3[%mul3A_2] : memref<204800xf32, #tpu.memory_space<hbm>> -> memref<6400xf32, #tpu.memory_space<hbm>>
      tpu.enqueue_dma source(%dma_start3A_26 : memref<6400xf32, #tpu.memory_space<hbm>>) target(%arg7 : memref<6400xf32, #tpu.memory_space<vmem>>) target_semaphore(%run_scoped3A : memref<!tpu.dma_semaphore, #tpu.memory_space<semaphore_mem>>)
      %dma_wait3A = tpu.memref_slice %arg3[%mul3A_2] : memref<204800xf32, #tpu.memory_space<hbm>> -> memref<6400xf32, #tpu.memory_space<hbm>>
      %dma_wait3A_27 = tpu.memref_slice %arg3[%mul3A_2] : memref<204800xf32, #tpu.memory_space<hbm>> -> memref<6400xf32, #tpu.memory_space<hbm>>
      tpu.wait_dma2 semaphore(%run_scoped3A : memref<!tpu.dma_semaphore, #tpu.memory_space<semaphore_mem>>) src(%dma_wait3A_27 : memref<6400xf32, #tpu.memory_space<hbm>>) dst(%arg7 : memref<6400xf32, #tpu.memory_space<vmem>>)
      tpu.yield
    }) : () -> ()
    %while3A = arith.constant 0 : i32
    %while3A_5 = arith.constant 0 : i32
    %while3A_6 = arith.subi %select_n3A, %while3A : i32
    %while3A_7 = arith.addi %while3A, %while3A_6 : i32
    %while3A_8 = arith.constant 1 : i32
    %while3A_9 = arith.divsi %while3A_6, %while3A_8 : i32
    %while3A_10 = arith.muli %while3A_9, %while3A_8 : i32
    %while3A_11 = arith.addi %while3A, %while3A_10 : i32
    %while3A_12 = arith.constant 1 : i32
    %while3A_13 = scf.for %while3A_26 = %while3A to %while3A_11 step %while3A_12 iter_args(%while3A_27 = %while3A_5) -> (i32)  : i32 {
      %mul3A_28 = arith.constant 32 : i32
      %mul3A_29 = arith.muli %while3A_26, %mul3A_28 : i32
      %sub3A = arith.constant 32 : i32
      %sub3A_30 = arith.subi %mul3A_29, %sub3A : i32
      %max3A = arith.constant 0 : i32
      %max3A_31 = arith.maxsi %sub3A_30, %max3A : i32
      %add3A_32 = arith.constant 0 : i32
      %add3A_33 = arith.addi %mul3A_29, %add3A_32 : i32
      %get3A = arith.index_cast %add3A_33 : i32 to index
      %get3A_34 = tpu.vector_load %arg6[%get3A] {strides = array<i32>} : memref<6400xf32, #tpu.memory_space<vmem>>, vector<16xf32>,
      %get3A_35 = vector.shape_cast %get3A_34 : vector<16xf32> to vector<16xf32>
      %add3A_36 = arith.constant 0 : i32
      %add3A_37 = arith.addi %max3A_31, %add3A_36 : i32
      %get3A_38 = arith.index_cast %add3A_37 : i32 to index
      %get3A_39 = tpu.vector_load %arg6[%get3A_38] {strides = array<i32>} : memref<6400xf32, #tpu.memory_space<vmem>>, vector<16xf32>,
      %get3A_40 = vector.shape_cast %get3A_39 : vector<16xf32> to vector<16xf32>
      %ne3A = arith.cmpf one, %get3A_35, %get3A_40 : vector<16xf32>
      %jit3A_41 = arith.constant 1 : i32
      %jit3A_42 = arith.constant 0 : i32
      %broadcast_in_dim3A = vector.broadcast %jit3A_41 : i32 to vector<16xi32>
      %broadcast_in_dim3A_43 = vector.broadcast %jit3A_42 : i32 to vector<16xi32>
      %select_n3A_44 = arith.select %ne3A, %broadcast_in_dim3A, %broadcast_in_dim3A_43 : vector<16xi1>, vector<16xi32>
      %add3A_45 = arith.constant 0 : i32
      %add3A_46 = arith.addi %mul3A_29, %add3A_45 : i32
      %get3A_47 = arith.index_cast %add3A_46 : i32 to index
      %get3A_48 = tpu.vector_load %arg7[%get3A_47] {strides = array<i32>} : memref<6400xf32, #tpu.memory_space<vmem>>, vector<16xf32>,
      %get3A_49 = vector.shape_cast %get3A_48 : vector<16xf32> to vector<16xf32>
      %add3A_50 = arith.constant 0 : i32
      %add3A_51 = arith.addi %max3A_31, %add3A_50 : i32
      %get3A_52 = arith.index_cast %add3A_51 : i32 to index
      %get3A_53 = tpu.vector_load %arg7[%get3A_52] {strides = array<i32>} : memref<6400xf32, #tpu.memory_space<vmem>>, vector<16xf32>,
      %get3A_54 = vector.shape_cast %get3A_53 : vector<16xf32> to vector<16xf32>
      %ne3A_55 = arith.cmpf one, %get3A_49, %get3A_54 : vector<16xf32>
      %jit3A_56 = arith.constant 1 : i32
      %jit3A_57 = arith.constant 0 : i32
      %broadcast_in_dim3A_58 = vector.broadcast %jit3A_56 : i32 to vector<16xi32>
      %broadcast_in_dim3A_59 = vector.broadcast %jit3A_57 : i32 to vector<16xi32>
      %select_n3A_60 = arith.select %ne3A_55, %broadcast_in_dim3A_58, %broadcast_in_dim3A_59 : vector<16xi1>, vector<16xi32>
      %add3A_61 = arith.addi %select_n3A_44, %select_n3A_60 : vector<16xi32>
      %add3A_62 = arith.constant 16 : i32
      %add3A_63 = arith.addi %mul3A_29, %add3A_62 : i32
      %get3A_64 = arith.index_cast %add3A_63 : i32 to index
      %get3A_65 = tpu.vector_load %arg6[%get3A_64] {strides = array<i32>} : memref<6400xf32, #tpu.memory_space<vmem>>, vector<16xf32>,
      %get3A_66 = vector.shape_cast %get3A_65 : vector<16xf32> to vector<16xf32>
      %add3A_67 = arith.constant 16 : i32
      %add3A_68 = arith.addi %max3A_31, %add3A_67 : i32
      %get3A_69 = arith.index_cast %add3A_68 : i32 to index
      %get3A_70 = tpu.vector_load %arg6[%get3A_69] {strides = array<i32>} : memref<6400xf32, #tpu.memory_space<vmem>>, vector<16xf32>,
      %get3A_71 = vector.shape_cast %get3A_70 : vector<16xf32> to vector<16xf32>
      %ne3A_72 = arith.cmpf one, %get3A_66, %get3A_71 : vector<16xf32>
      %jit3A_73 = arith.constant 1 : i32
      %jit3A_74 = arith.constant 0 : i32
      %broadcast_in_dim3A_75 = vector.broadcast %jit3A_73 : i32 to vector<16xi32>
      %broadcast_in_dim3A_76 = vector.broadcast %jit3A_74 : i32 to vector<16xi32>
      %select_n3A_77 = arith.select %ne3A_72, %broadcast_in_dim3A_75, %broadcast_in_dim3A_76 : vector<16xi1>, vector<16xi32>
      %add3A_78 = arith.constant 16 : i32
      %add3A_79 = arith.addi %mul3A_29, %add3A_78 : i32
      %get3A_80 = arith.index_cast %add3A_79 : i32 to index
      %get3A_81 = tpu.vector_load %arg7[%get3A_80] {strides = array<i32>} : memref<6400xf32, #tpu.memory_space<vmem>>, vector<16xf32>,
      %get3A_82 = vector.shape_cast %get3A_81 : vector<16xf32> to vector<16xf32>
      %add3A_83 = arith.constant 16 : i32
      %add3A_84 = arith.addi %max3A_31, %add3A_83 : i32
      %get3A_85 = arith.index_cast %add3A_84 : i32 to index
      %get3A_86 = tpu.vector_load %arg7[%get3A_85] {strides = array<i32>} : memref<6400xf32, #tpu.memory_space<vmem>>, vector<16xf32>,
      %get3A_87 = vector.shape_cast %get3A_86 : vector<16xf32> to vector<16xf32>
      %ne3A_88 = arith.cmpf one, %get3A_82, %get3A_87 : vector<16xf32>
      %jit3A_89 = arith.constant 1 : i32
      %jit3A_90 = arith.constant 0 : i32
      %broadcast_in_dim3A_91 = vector.broadcast %jit3A_89 : i32 to vector<16xi32>
      %broadcast_in_dim3A_92 = vector.broadcast %jit3A_90 : i32 to vector<16xi32>
      %select_n3A_93 = arith.select %ne3A_88, %broadcast_in_dim3A_91, %broadcast_in_dim3A_92 : vector<16xi1>, vector<16xi32>
      %add3A_94 = arith.addi %select_n3A_77, %select_n3A_93 : vector<16xi32>
      %add3A_95 = arith.addi %add3A_61, %add3A_94 : vector<16xi32>
      %slice3A = vector.extract_strided_slice %add3A_95 {offsets = [0], sizes = [1], strides = [1]} : vector<16xi32> to vector<1xi32>
      %squeeze3A = vector.extract %slice3A[0] : i32 from vector<1xi32>
      %slice3A_96 = vector.extract_strided_slice %add3A_95 {offsets = [1], sizes = [1], strides = [1]} : vector<16xi32> to vector<1xi32>
      %squeeze3A_97 = vector.extract %slice3A_96[0] : i32 from vector<1xi32>
      %add3A_98 = arith.addi %squeeze3A, %squeeze3A_97 : i32
      %slice3A_99 = vector.extract_strided_slice %add3A_95 {offsets = [2], sizes = [1], strides = [1]} : vector<16xi32> to vector<1xi32>
      %squeeze3A_100 = vector.extract %slice3A_99[0] : i32 from vector<1xi32>
      %add3A_101 = arith.addi %add3A_98, %squeeze3A_100 : i32
      %slice3A_102 = vector.extract_strided_slice %add3A_95 {offsets = [3], sizes = [1], strides = [1]} : vector<16xi32> to vector<1xi32>
      %squeeze3A_103 = vector.extract %slice3A_102[0] : i32 from vector<1xi32>
      %add3A_104 = arith.addi %add3A_101, %squeeze3A_103 : i32
      %slice3A_105 = vector.extract_strided_slice %add3A_95 {offsets = [4], sizes = [1], strides = [1]} : vector<16xi32> to vector<1xi32>
      %squeeze3A_106 = vector.extract %slice3A_105[0] : i32 from vector<1xi32>
      %add3A_107 = arith.addi %add3A_104, %squeeze3A_106 : i32
      %slice3A_108 = vector.extract_strided_slice %add3A_95 {offsets = [5], sizes = [1], strides = [1]} : vector<16xi32> to vector<1xi32>
      %squeeze3A_109 = vector.extract %slice3A_108[0] : i32 from vector<1xi32>
      %add3A_110 = arith.addi %add3A_107, %squeeze3A_109 : i32
      %slice3A_111 = vector.extract_strided_slice %add3A_95 {offsets = [6], sizes = [1], strides = [1]} : vector<16xi32> to vector<1xi32>
      %squeeze3A_112 = vector.extract %slice3A_111[0] : i32 from vector<1xi32>
      %add3A_113 = arith.addi %add3A_110, %squeeze3A_112 : i32
      %slice3A_114 = vector.extract_strided_slice %add3A_95 {offsets = [7], sizes = [1], strides = [1]} : vector<16xi32> to vector<1xi32>
      %squeeze3A_115 = vector.extract %slice3A_114[0] : i32 from vector<1xi32>
      %add3A_116 = arith.addi %add3A_113, %squeeze3A_115 : i32
      %slice3A_117 = vector.extract_strided_slice %add3A_95 {offsets = [8], sizes = [1], strides = [1]} : vector<16xi32> to vector<1xi32>
      %squeeze3A_118 = vector.extract %slice3A_117[0] : i32 from vector<1xi32>
      %add3A_119 = arith.addi %add3A_116, %squeeze3A_118 : i32
      %slice3A_120 = vector.extract_strided_slice %add3A_95 {offsets = [9], sizes = [1], strides = [1]} : vector<16xi32> to vector<1xi32>
      %squeeze3A_121 = vector.extract %slice3A_120[0] : i32 from vector<1xi32>
      %add3A_122 = arith.addi %add3A_119, %squeeze3A_121 : i32
      %slice3A_123 = vector.extract_strided_slice %add3A_95 {offsets = [10], sizes = [1], strides = [1]} : vector<16xi32> to vector<1xi32>
      %squeeze3A_124 = vector.extract %slice3A_123[0] : i32 from vector<1xi32>
      %add3A_125 = arith.addi %add3A_122, %squeeze3A_124 : i32
      %slice3A_126 = vector.extract_strided_slice %add3A_95 {offsets = [11], sizes = [1], strides = [1]} : vector<16xi32> to vector<1xi32>
      %squeeze3A_127 = vector.extract %slice3A_126[0] : i32 from vector<1xi32>
      %add3A_128 = arith.addi %add3A_125, %squeeze3A_127 : i32
      %slice3A_129 = vector.extract_strided_slice %add3A_95 {offsets = [12], sizes = [1], strides = [1]} : vector<16xi32> to vector<1xi32>
      %squeeze3A_130 = vector.extract %slice3A_129[0] : i32 from vector<1xi32>
      %add3A_131 = arith.addi %add3A_128, %squeeze3A_130 : i32
      %slice3A_132 = vector.extract_strided_slice %add3A_95 {offsets = [13], sizes = [1], strides = [1]} : vector<16xi32> to vector<1xi32>
      %squeeze3A_133 = vector.extract %slice3A_132[0] : i32 from vector<1xi32>
      %add3A_134 = arith.addi %add3A_131, %squeeze3A_133 : i32
      %slice3A_135 = vector.extract_strided_slice %add3A_95 {offsets = [14], sizes = [1], strides = [1]} : vector<16xi32> to vector<1xi32>
      %squeeze3A_136 = vector.extract %slice3A_135[0] : i32 from vector<1xi32>
      %add3A_137 = arith.addi %add3A_134, %squeeze3A_136 : i32
      %slice3A_138 = vector.extract_strided_slice %add3A_95 {offsets = [15], sizes = [1], strides = [1]} : vector<16xi32> to vector<1xi32>
      %squeeze3A_139 = vector.extract %slice3A_138[0] : i32 from vector<1xi32>
      %add3A_140 = arith.addi %add3A_137, %squeeze3A_139 : i32
      %gt3A = arith.constant 0 : i32
      %gt3A_141 = arith.cmpi sgt, %while3A_26, %gt3A : i32
      %eq3A = arith.constant 0 : i32
      %eq3A_142 = arith.cmpi eq, %add3A_140, %eq3A : i32
      %and3A = arith.andi %gt3A_141, %eq3A_142 : i1
      %convert_element_type3A = arith.extui %and3A : i1 to i32
      %cond3A = arith.constant 0 : i32
      %cond3A_143 = arith.cmpi ne, %convert_element_type3A, %cond3A : i32
      %cond3A_144 = scf.if %cond3A_143 -> (i32) {
        scf.yield %while3A_27 : i32
      } else {
        %while3A_265 = arith.constant 0 : i32
        %while3A_266 = arith.constant 0 : i32
        %while3A_267 = arith.subi %while3A_27, %while3A_266 : i32
        %while3A_268 = arith.addi %while3A_266, %while3A_267 : i32
        %while3A_269 = arith.constant 1 : i32
        %while3A_270 = arith.divsi %while3A_267, %while3A_269 : i32
        %while3A_271 = arith.muli %while3A_270, %while3A_269 : i32
        %while3A_272 = arith.addi %while3A_266, %while3A_271 : i32
        %while3A_273 = arith.constant 1 : i32
        scf.for %while3A_507 = %while3A_266 to %while3A_272 step %while3A_273  : i32 {
          %dma_wait3A_508 = arith.constant 0 : i32
          %dma_wait3A_509 = arith.constant 0 : i32
          %dma_wait3A_510 = tpu.memref_slice %arg9[%dma_wait3A_508, %dma_wait3A_509] : memref<256x256xf32, #tpu.memory_space<vmem>> -> memref<32x256xf32, #tpu.memory_space<vmem>>
          %dma_wait3A_511 = arith.constant 0 : i32
          %dma_wait3A_512 = arith.constant 0 : i32
          %dma_wait3A_513 = tpu.memref_slice %arg5[%dma_wait3A_511, %dma_wait3A_512] : memref<1600000x256xf32, #tpu.memory_space<hbm>> -> memref<32x256xf32, #tpu.memory_space<hbm>>
          %dma_wait3A_514 = arith.constant 0 : i32
          %dma_wait3A_515 = arith.constant 0 : i32
          %dma_wait3A_516 = tpu.memref_slice %arg9[%dma_wait3A_514, %dma_wait3A_515] : memref<256x256xf32, #tpu.memory_space<vmem>> -> memref<32x256xf32, #tpu.memory_space<vmem>>
          %dma_wait3A_517 = arith.constant 0 : i32
          %dma_wait3A_518 = arith.constant 0 : i32
          %dma_wait3A_519 = tpu.memref_slice %arg5[%dma_wait3A_517, %dma_wait3A_518] : memref<1600000x256xf32, #tpu.memory_space<hbm>> -> memref<32x256xf32, #tpu.memory_space<hbm>>
          tpu.wait_dma2 semaphore(%arg11 : memref<!tpu.dma_semaphore, #tpu.memory_space<semaphore_mem>>) src(%dma_wait3A_519 : memref<32x256xf32, #tpu.memory_space<hbm>>) dst(%dma_wait3A_516 : memref<32x256xf32, #tpu.memory_space<vmem>>)
        }
        %while3A_274 = arith.constant 1 : i32
        scf.for %while3A_507 = %while3A_272 to %while3A_268 step %while3A_274  : i32 {
          %dma_wait3A_508 = arith.constant 0 : i32
          %dma_wait3A_509 = arith.constant 0 : i32
          %dma_wait3A_510 = tpu.memref_slice %arg9[%dma_wait3A_508, %dma_wait3A_509] : memref<256x256xf32, #tpu.memory_space<vmem>> -> memref<32x256xf32, #tpu.memory_space<vmem>>
          %dma_wait3A_511 = arith.constant 0 : i32
          %dma_wait3A_512 = arith.constant 0 : i32
          %dma_wait3A_513 = tpu.memref_slice %arg5[%dma_wait3A_511, %dma_wait3A_512] : memref<1600000x256xf32, #tpu.memory_space<hbm>> -> memref<32x256xf32, #tpu.memory_space<hbm>>
          %dma_wait3A_514 = arith.constant 0 : i32
          %dma_wait3A_515 = arith.constant 0 : i32
          %dma_wait3A_516 = tpu.memref_slice %arg9[%dma_wait3A_514, %dma_wait3A_515] : memref<256x256xf32, #tpu.memory_space<vmem>> -> memref<32x256xf32, #tpu.memory_space<vmem>>
          %dma_wait3A_517 = arith.constant 0 : i32
          %dma_wait3A_518 = arith.constant 0 : i32
          %dma_wait3A_519 = tpu.memref_slice %arg5[%dma_wait3A_517, %dma_wait3A_518] : memref<1600000x256xf32, #tpu.memory_space<hbm>> -> memref<32x256xf32, #tpu.memory_space<hbm>>
          tpu.wait_dma2 semaphore(%arg11 : memref<!tpu.dma_semaphore, #tpu.memory_space<semaphore_mem>>) src(%dma_wait3A_519 : memref<32x256xf32, #tpu.memory_space<hbm>>) dst(%dma_wait3A_516 : memref<32x256xf32, #tpu.memory_space<vmem>>)
        }
        %add3A_275 = arith.constant 0 : i32
        %add3A_276 = arith.addi %mul3A_29, %add3A_275 : i32
        %get3A_277 = arith.index_cast %add3A_276 : i32 to index
        %get3A_278 = tpu.vector_load %arg6[%get3A_277] {strides = array<i32>} : memref<6400xf32, #tpu.memory_space<vmem>>, vector<16xf32>,
        %get3A_279 = vector.shape_cast %get3A_278 : vector<16xf32> to vector<16xf32>
        %add3A_280 = arith.constant 0 : i32
        %add3A_281 = arith.addi %mul3A_29, %add3A_280 : i32
        %get3A_282 = arith.index_cast %add3A_281 : i32 to index
        %get3A_283 = tpu.vector_load %arg7[%get3A_282] {strides = array<i32>} : memref<6400xf32, #tpu.memory_space<vmem>>, vector<16xf32>,
        %get3A_284 = vector.shape_cast %get3A_283 : vector<16xf32> to vector<16xf32>
        %convert_element_type3A_285 = arith.fptosi %get3A_279 : vector<16xf32> to vector<16xi32>
        %convert_element_type3A_286 = arith.sitofp %convert_element_type3A_285 : vector<16xi32> to vector<16xf32>
        %gt3A_287 = arith.cmpf ogt, %convert_element_type3A_286, %get3A_279 : vector<16xf32>
        %sub3A_288 = arith.constant 1 : i32
        %sub3A_289 = vector.broadcast %sub3A_288 : i32 to vector<16xi32>
        %sub3A_290 = arith.subi %convert_element_type3A_285, %sub3A_289 : vector<16xi32>
        %select_n3A_291 = arith.select %gt3A_287, %sub3A_290, %convert_element_type3A_285 : vector<16xi1>, vector<16xi32>
        %convert_element_type3A_292 = arith.fptosi %get3A_284 : vector<16xf32> to vector<16xi32>
        %convert_element_type3A_293 = arith.sitofp %convert_element_type3A_292 : vector<16xi32> to vector<16xf32>
        %gt3A_294 = arith.cmpf ogt, %convert_element_type3A_293, %get3A_284 : vector<16xf32>
        %sub3A_295 = arith.constant 1 : i32
        %sub3A_296 = vector.broadcast %sub3A_295 : i32 to vector<16xi32>
        %sub3A_297 = arith.subi %convert_element_type3A_292, %sub3A_296 : vector<16xi32>
        %select_n3A_298 = arith.select %gt3A_294, %sub3A_297, %convert_element_type3A_292 : vector<16xi1>, vector<16xi32>
        %jit3A_299 = arith.constant 0 : i32
        %jit3A_300 = arith.constant 127 : i32
        %max3A_301 = vector.broadcast %jit3A_299 : i32 to vector<16xi32>
        %max3A_302 = arith.maxsi %max3A_301, %select_n3A_291 : vector<16xi32>
        %min3A = vector.broadcast %jit3A_300 : i32 to vector<16xi32>
        %min3A_303 = arith.minsi %min3A, %max3A_302 : vector<16xi32>
        %add3A_304 = arith.constant 1 : i32
        %add3A_305 = vector.broadcast %add3A_304 : i32 to vector<16xi32>
        %add3A_306 = arith.addi %select_n3A_291, %add3A_305 : vector<16xi32>
        %jit3A_307 = arith.constant 0 : i32
        %jit3A_308 = arith.constant 127 : i32
        %max3A_309 = vector.broadcast %jit3A_307 : i32 to vector<16xi32>
        %max3A_310 = arith.maxsi %max3A_309, %add3A_306 : vector<16xi32>
        %min3A_311 = vector.broadcast %jit3A_308 : i32 to vector<16xi32>
        %min3A_312 = arith.minsi %min3A_311, %max3A_310 : vector<16xi32>
        %jit3A_313 = arith.constant 0 : i32
        %jit3A_314 = arith.constant 127 : i32
        %max3A_315 = vector.broadcast %jit3A_313 : i32 to vector<16xi32>
        %max3A_316 = arith.maxsi %max3A_315, %select_n3A_298 : vector<16xi32>
        %min3A_317 = vector.broadcast %jit3A_314 : i32 to vector<16xi32>
        %min3A_318 = arith.minsi %min3A_317, %max3A_316 : vector<16xi32>
        %add3A_319 = arith.constant 1 : i32
        %add3A_320 = vector.broadcast %add3A_319 : i32 to vector<16xi32>
        %add3A_321 = arith.addi %select_n3A_298, %add3A_320 : vector<16xi32>
        %jit3A_322 = arith.constant 0 : i32
        %jit3A_323 = arith.constant 127 : i32
        %max3A_324 = vector.broadcast %jit3A_322 : i32 to vector<16xi32>
        %max3A_325 = arith.maxsi %max3A_324, %add3A_321 : vector<16xi32>
        %min3A_326 = vector.broadcast %jit3A_323 : i32 to vector<16xi32>
        %min3A_327 = arith.minsi %min3A_326, %max3A_325 : vector<16xi32>
        %mul3A_328 = arith.constant 128 : i32
        %mul3A_329 = vector.broadcast %mul3A_328 : i32 to vector<16xi32>
        %mul3A_330 = arith.muli %min3A_318, %mul3A_329 : vector<16xi32>
        %add3A_331 = arith.addi %mul3A_330, %min3A_303 : vector<16xi32>
        %mul3A_332 = arith.constant 128 : i32
        %mul3A_333 = vector.broadcast %mul3A_332 : i32 to vector<16xi32>
        %mul3A_334 = arith.muli %min3A_327, %mul3A_333 : vector<16xi32>
        %add3A_335 = arith.addi %mul3A_334, %min3A_303 : vector<16xi32>
        %mul3A_336 = arith.constant 128 : i32
        %mul3A_337 = vector.broadcast %mul3A_336 : i32 to vector<16xi32>
        %mul3A_338 = arith.muli %min3A_318, %mul3A_337 : vector<16xi32>
        %add3A_339 = arith.addi %mul3A_338, %min3A_312 : vector<16xi32>
        %mul3A_340 = arith.constant 128 : i32
        %mul3A_341 = vector.broadcast %mul3A_340 : i32 to vector<16xi32>
        %mul3A_342 = arith.muli %min3A_327, %mul3A_341 : vector<16xi32>
        %add3A_343 = arith.addi %mul3A_342, %min3A_312 : vector<16xi32>
        %swap3A = arith.constant 0 : index
        %swap3A_344 = tpu.vector_load %arg8[%swap3A] {strides = array<i32>} : memref<256xi32, #tpu.memory_space<vmem>>, vector<16xi32>,
        %swap3A_345 = vector.shape_cast %swap3A_344 : vector<16xi32> to vector<16xi32>
        %swap3A_346 = vector.shape_cast %add3A_331 : vector<16xi32> to vector<16xi32>
        tpu.vector_store %arg8[%swap3A], %swap3A_346 {strides = array<i32>} : memref<256xi32, #tpu.memory_space<vmem>>, vector<16xi32>,
        %swap3A_347 = arith.constant 32 : index
        %swap3A_348 = tpu.vector_load %arg8[%swap3A_347] {strides = array<i32>} : memref<256xi32, #tpu.memory_space<vmem>>, vector<16xi32>,
        %swap3A_349 = vector.shape_cast %swap3A_348 : vector<16xi32> to vector<16xi32>
        %swap3A_350 = vector.shape_cast %add3A_335 : vector<16xi32> to vector<16xi32>
        tpu.vector_store %arg8[%swap3A_347], %swap3A_350 {strides = array<i32>} : memref<256xi32, #tpu.memory_space<vmem>>, vector<16xi32>,
        %swap3A_351 = arith.constant 64 : index
        %swap3A_352 = tpu.vector_load %arg8[%swap3A_351] {strides = array<i32>} : memref<256xi32, #tpu.memory_space<vmem>>, vector<16xi32>,
        %swap3A_353 = vector.shape_cast %swap3A_352 : vector<16xi32> to vector<16xi32>
        %swap3A_354 = vector.shape_cast %add3A_339 : vector<16xi32> to vector<16xi32>
        tpu.vector_store %arg8[%swap3A_351], %swap3A_354 {strides = array<i32>} : memref<256xi32, #tpu.memory_space<vmem>>, vector<16xi32>,
        %swap3A_355 = arith.constant 96 : index
        %swap3A_356 = tpu.vector_load %arg8[%swap3A_355] {strides = array<i32>} : memref<256xi32, #tpu.memory_space<vmem>>, vector<16xi32>,
        %swap3A_357 = vector.shape_cast %swap3A_356 : vector<16xi32> to vector<16xi32>
        %swap3A_358 = vector.shape_cast %add3A_343 : vector<16xi32> to vector<16xi32>
        tpu.vector_store %arg8[%swap3A_355], %swap3A_358 {strides = array<i32>} : memref<256xi32, #tpu.memory_space<vmem>>, vector<16xi32>,
        %add3A_359 = arith.constant 16384 : i32
        %add3A_360 = vector.broadcast %add3A_359 : i32 to vector<16xi32>
        %add3A_361 = arith.addi %add3A_331, %add3A_360 : vector<16xi32>
        %swap3A_362 = arith.constant 128 : index
        %swap3A_363 = tpu.vector_load %arg8[%swap3A_362] {strides = array<i32>} : memref<256xi32, #tpu.memory_space<vmem>>, vector<16xi32>,
        %swap3A_364 = vector.shape_cast %swap3A_363 : vector<16xi32> to vector<16xi32>
        %swap3A_365 = vector.shape_cast %add3A_361 : vector<16xi32> to vector<16xi32>
        tpu.vector_store %arg8[%swap3A_362], %swap3A_365 {strides = array<i32>} : memref<256xi32, #tpu.memory_space<vmem>>, vector<16xi32>,
        %add3A_366 = arith.constant 16384 : i32
        %add3A_367 = vector.broadcast %add3A_366 : i32 to vector<16xi32>
        %add3A_368 = arith.addi %add3A_335, %add3A_367 : vector<16xi32>
        %swap3A_369 = arith.constant 160 : index
        %swap3A_370 = tpu.vector_load %arg8[%swap3A_369] {strides = array<i32>} : memref<256xi32, #tpu.memory_space<vmem>>, vector<16xi32>,
        %swap3A_371 = vector.shape_cast %swap3A_370 : vector<16xi32> to vector<16xi32>
        %swap3A_372 = vector.shape_cast %add3A_368 : vector<16xi32> to vector<16xi32>
        tpu.vector_store %arg8[%swap3A_369], %swap3A_372 {strides = array<i32>} : memref<256xi32, #tpu.memory_space<vmem>>, vector<16xi32>,
        %add3A_373 = arith.constant 16384 : i32
        %add3A_374 = vector.broadcast %add3A_373 : i32 to vector<16xi32>
        %add3A_375 = arith.addi %add3A_339, %add3A_374 : vector<16xi32>
        %swap3A_376 = arith.constant 192 : index
        %swap3A_377 = tpu.vector_load %arg8[%swap3A_376] {strides = array<i32>} : memref<256xi32, #tpu.memory_space<vmem>>, vector<16xi32>,
        %swap3A_378 = vector.shape_cast %swap3A_377 : vector<16xi32> to vector<16xi32>
        %swap3A_379 = vector.shape_cast %add3A_375 : vector<16xi32> to vector<16xi32>
        tpu.vector_store %arg8[%swap3A_376], %swap3A_379 {strides = array<i32>} : memref<256xi32, #tpu.memory_space<vmem>>, vector<16xi32>,
        %add3A_380 = arith.constant 16384 : i32
        %add3A_381 = vector.broadcast %add3A_380 : i32 to vector<16xi32>
        %add3A_382 = arith.addi %add3A_343, %add3A_381 : vector<16xi32>
        %swap3A_383 = arith.constant 224 : index
        %swap3A_384 = tpu.vector_load %arg8[%swap3A_383] {strides = array<i32>} : memref<256xi32, #tpu.memory_space<vmem>>, vector<16xi32>,
        %swap3A_385 = vector.shape_cast %swap3A_384 : vector<16xi32> to vector<16xi32>
        %swap3A_386 = vector.shape_cast %add3A_382 : vector<16xi32> to vector<16xi32>
        tpu.vector_store %arg8[%swap3A_383], %swap3A_386 {strides = array<i32>} : memref<256xi32, #tpu.memory_space<vmem>>, vector<16xi32>,
        %add3A_387 = arith.constant 16 : i32
        %add3A_388 = arith.addi %mul3A_29, %add3A_387 : i32
        %get3A_389 = arith.index_cast %add3A_388 : i32 to index
        %get3A_390 = tpu.vector_load %arg6[%get3A_389] {strides = array<i32>} : memref<6400xf32, #tpu.memory_space<vmem>>, vector<16xf32>,
        %get3A_391 = vector.shape_cast %get3A_390 : vector<16xf32> to vector<16xf32>
        %add3A_392 = arith.constant 16 : i32
        %add3A_393 = arith.addi %mul3A_29, %add3A_392 : i32
        %get3A_394 = arith.index_cast %add3A_393 : i32 to index
        %get3A_395 = tpu.vector_load %arg7[%get3A_394] {strides = array<i32>} : memref<6400xf32, #tpu.memory_space<vmem>>, vector<16xf32>,
        %get3A_396 = vector.shape_cast %get3A_395 : vector<16xf32> to vector<16xf32>
        %convert_element_type3A_397 = arith.fptosi %get3A_391 : vector<16xf32> to vector<16xi32>
        %convert_element_type3A_398 = arith.sitofp %convert_element_type3A_397 : vector<16xi32> to vector<16xf32>
        %gt3A_399 = arith.cmpf ogt, %convert_element_type3A_398, %get3A_391 : vector<16xf32>
        %sub3A_400 = arith.constant 1 : i32
        %sub3A_401 = vector.broadcast %sub3A_400 : i32 to vector<16xi32>
        %sub3A_402 = arith.subi %convert_element_type3A_397, %sub3A_401 : vector<16xi32>
        %select_n3A_403 = arith.select %gt3A_399, %sub3A_402, %convert_element_type3A_397 : vector<16xi1>, vector<16xi32>
        %convert_element_type3A_404 = arith.fptosi %get3A_396 : vector<16xf32> to vector<16xi32>
        %convert_element_type3A_405 = arith.sitofp %convert_element_type3A_404 : vector<16xi32> to vector<16xf32>
        %gt3A_406 = arith.cmpf ogt, %convert_element_type3A_405, %get3A_396 : vector<16xf32>
        %sub3A_407 = arith.constant 1 : i32
        %sub3A_408 = vector.broadcast %sub3A_407 : i32 to vector<16xi32>
        %sub3A_409 = arith.subi %convert_element_type3A_404, %sub3A_408 : vector<16xi32>
        %select_n3A_410 = arith.select %gt3A_406, %sub3A_409, %convert_element_type3A_404 : vector<16xi1>, vector<16xi32>
        %jit3A_411 = arith.constant 0 : i32
        %jit3A_412 = arith.constant 127 : i32
        %max3A_413 = vector.broadcast %jit3A_411 : i32 to vector<16xi32>
        %max3A_414 = arith.maxsi %max3A_413, %select_n3A_403 : vector<16xi32>
        %min3A_415 = vector.broadcast %jit3A_412 : i32 to vector<16xi32>
        %min3A_416 = arith.minsi %min3A_415, %max3A_414 : vector<16xi32>
        %add3A_417 = arith.constant 1 : i32
        %add3A_418 = vector.broadcast %add3A_417 : i32 to vector<16xi32>
        %add3A_419 = arith.addi %select_n3A_403, %add3A_418 : vector<16xi32>
        %jit3A_420 = arith.constant 0 : i32
        %jit3A_421 = arith.constant 127 : i32
        %max3A_422 = vector.broadcast %jit3A_420 : i32 to vector<16xi32>
        %max3A_423 = arith.maxsi %max3A_422, %add3A_419 : vector<16xi32>
        %min3A_424 = vector.broadcast %jit3A_421 : i32 to vector<16xi32>
        %min3A_425 = arith.minsi %min3A_424, %max3A_423 : vector<16xi32>
        %jit3A_426 = arith.constant 0 : i32
        %jit3A_427 = arith.constant 127 : i32
        %max3A_428 = vector.broadcast %jit3A_426 : i32 to vector<16xi32>
        %max3A_429 = arith.maxsi %max3A_428, %select_n3A_410 : vector<16xi32>
        %min3A_430 = vector.broadcast %jit3A_427 : i32 to vector<16xi32>
        %min3A_431 = arith.minsi %min3A_430, %max3A_429 : vector<16xi32>
        %add3A_432 = arith.constant 1 : i32
        %add3A_433 = vector.broadcast %add3A_432 : i32 to vector<16xi32>
        %add3A_434 = arith.addi %select_n3A_410, %add3A_433 : vector<16xi32>
        %jit3A_435 = arith.constant 0 : i32
        %jit3A_436 = arith.constant 127 : i32
        %max3A_437 = vector.broadcast %jit3A_435 : i32 to vector<16xi32>
        %max3A_438 = arith.maxsi %max3A_437, %add3A_434 : vector<16xi32>
        %min3A_439 = vector.broadcast %jit3A_436 : i32 to vector<16xi32>
        %min3A_440 = arith.minsi %min3A_439, %max3A_438 : vector<16xi32>
        %mul3A_441 = arith.constant 128 : i32
        %mul3A_442 = vector.broadcast %mul3A_441 : i32 to vector<16xi32>
        %mul3A_443 = arith.muli %min3A_431, %mul3A_442 : vector<16xi32>
        %add3A_444 = arith.addi %mul3A_443, %min3A_416 : vector<16xi32>
        %mul3A_445 = arith.constant 128 : i32
        %mul3A_446 = vector.broadcast %mul3A_445 : i32 to vector<16xi32>
        %mul3A_447 = arith.muli %min3A_440, %mul3A_446 : vector<16xi32>
        %add3A_448 = arith.addi %mul3A_447, %min3A_416 : vector<16xi32>
        %mul3A_449 = arith.constant 128 : i32
        %mul3A_450 = vector.broadcast %mul3A_449 : i32 to vector<16xi32>
        %mul3A_451 = arith.muli %min3A_431, %mul3A_450 : vector<16xi32>
        %add3A_452 = arith.addi %mul3A_451, %min3A_425 : vector<16xi32>
        %mul3A_453 = arith.constant 128 : i32
        %mul3A_454 = vector.broadcast %mul3A_453 : i32 to vector<16xi32>
        %mul3A_455 = arith.muli %min3A_440, %mul3A_454 : vector<16xi32>
        %add3A_456 = arith.addi %mul3A_455, %min3A_425 : vector<16xi32>
        %swap3A_457 = arith.constant 16 : index
        %swap3A_458 = tpu.vector_load %arg8[%swap3A_457] {strides = array<i32>} : memref<256xi32, #tpu.memory_space<vmem>>, vector<16xi32>,
        %swap3A_459 = vector.shape_cast %swap3A_458 : vector<16xi32> to vector<16xi32>
        %swap3A_460 = vector.shape_cast %add3A_444 : vector<16xi32> to vector<16xi32>
        tpu.vector_store %arg8[%swap3A_457], %swap3A_460 {strides = array<i32>} : memref<256xi32, #tpu.memory_space<vmem>>, vector<16xi32>,
        %swap3A_461 = arith.constant 48 : index
        %swap3A_462 = tpu.vector_load %arg8[%swap3A_461] {strides = array<i32>} : memref<256xi32, #tpu.memory_space<vmem>>, vector<16xi32>,
        %swap3A_463 = vector.shape_cast %swap3A_462 : vector<16xi32> to vector<16xi32>
        %swap3A_464 = vector.shape_cast %add3A_448 : vector<16xi32> to vector<16xi32>
        tpu.vector_store %arg8[%swap3A_461], %swap3A_464 {strides = array<i32>} : memref<256xi32, #tpu.memory_space<vmem>>, vector<16xi32>,
        %swap3A_465 = arith.constant 80 : index
        %swap3A_466 = tpu.vector_load %arg8[%swap3A_465] {strides = array<i32>} : memref<256xi32, #tpu.memory_space<vmem>>, vector<16xi32>,
        %swap3A_467 = vector.shape_cast %swap3A_466 : vector<16xi32> to vector<16xi32>
        %swap3A_468 = vector.shape_cast %add3A_452 : vector<16xi32> to vector<16xi32>
        tpu.vector_store %arg8[%swap3A_465], %swap3A_468 {strides = array<i32>} : memref<256xi32, #tpu.memory_space<vmem>>, vector<16xi32>,
        %swap3A_469 = arith.constant 112 : index
        %swap3A_470 = tpu.vector_load %arg8[%swap3A_469] {strides = array<i32>} : memref<256xi32, #tpu.memory_space<vmem>>, vector<16xi32>,
        %swap3A_471 = vector.shape_cast %swap3A_470 : vector<16xi32> to vector<16xi32>
        %swap3A_472 = vector.shape_cast %add3A_456 : vector<16xi32> to vector<16xi32>
        tpu.vector_store %arg8[%swap3A_469], %swap3A_472 {strides = array<i32>} : memref<256xi32, #tpu.memory_space<vmem>>, vector<16xi32>,
        %add3A_473 = arith.constant 16384 : i32
        %add3A_474 = vector.broadcast %add3A_473 : i32 to vector<16xi32>
        %add3A_475 = arith.addi %add3A_444, %add3A_474 : vector<16xi32>
        %swap3A_476 = arith.constant 144 : index
        %swap3A_477 = tpu.vector_load %arg8[%swap3A_476] {strides = array<i32>} : memref<256xi32, #tpu.memory_space<vmem>>, vector<16xi32>,
        %swap3A_478 = vector.shape_cast %swap3A_477 : vector<16xi32> to vector<16xi32>
        %swap3A_479 = vector.shape_cast %add3A_475 : vector<16xi32> to vector<16xi32>
        tpu.vector_store %arg8[%swap3A_476], %swap3A_479 {strides = array<i32>} : memref<256xi32, #tpu.memory_space<vmem>>, vector<16xi32>,
        %add3A_480 = arith.constant 16384 : i32
        %add3A_481 = vector.broadcast %add3A_480 : i32 to vector<16xi32>
        %add3A_482 = arith.addi %add3A_448, %add3A_481 : vector<16xi32>
        %swap3A_483 = arith.constant 176 : index
        %swap3A_484 = tpu.vector_load %arg8[%swap3A_483] {strides = array<i32>} : memref<256xi32, #tpu.memory_space<vmem>>, vector<16xi32>,
        %swap3A_485 = vector.shape_cast %swap3A_484 : vector<16xi32> to vector<16xi32>
        %swap3A_486 = vector.shape_cast %add3A_482 : vector<16xi32> to vector<16xi32>
        tpu.vector_store %arg8[%swap3A_483], %swap3A_486 {strides = array<i32>} : memref<256xi32, #tpu.memory_space<vmem>>, vector<16xi32>,
        %add3A_487 = arith.constant 16384 : i32
        %add3A_488 = vector.broadcast %add3A_487 : i32 to vector<16xi32>
        %add3A_489 = arith.addi %add3A_452, %add3A_488 : vector<16xi32>
        %swap3A_490 = arith.constant 208 : index
        %swap3A_491 = tpu.vector_load %arg8[%swap3A_490] {strides = array<i32>} : memref<256xi32, #tpu.memory_space<vmem>>, vector<16xi32>,
        %swap3A_492 = vector.shape_cast %swap3A_491 : vector<16xi32> to vector<16xi32>
        %swap3A_493 = vector.shape_cast %add3A_489 : vector<16xi32> to vector<16xi32>
        tpu.vector_store %arg8[%swap3A_490], %swap3A_493 {strides = array<i32>} : memref<256xi32, #tpu.memory_space<vmem>>, vector<16xi32>,
        %add3A_494 = arith.constant 16384 : i32
        %add3A_495 = vector.broadcast %add3A_494 : i32 to vector<16xi32>
        %add3A_496 = arith.addi %add3A_456, %add3A_495 : vector<16xi32>
        %swap3A_497 = arith.constant 240 : index
        %swap3A_498 = tpu.vector_load %arg8[%swap3A_497] {strides = array<i32>} : memref<256xi32, #tpu.memory_space<vmem>>, vector<16xi32>,
        %swap3A_499 = vector.shape_cast %swap3A_498 : vector<16xi32> to vector<16xi32>
        %swap3A_500 = vector.shape_cast %add3A_496 : vector<16xi32> to vector<16xi32>
        tpu.vector_store %arg8[%swap3A_497], %swap3A_500 {strides = array<i32>} : memref<256xi32, #tpu.memory_space<vmem>>, vector<16xi32>,
        %dma_start3A_501 = arith.constant 0 : i32
        %dma_start3A_502 = arith.constant 0 : i32
        %dma_start3A_503 = tpu.memref_slice %arg4[%dma_start3A_501, %dma_start3A_502] : memref<32768x256xf32, #tpu.memory_space<hbm>> -> memref<32768x256xf32, #tpu.memory_space<hbm>>
        tpu.enqueue_indirect_dma source(%dma_start3A_503 : memref<32768x256xf32, #tpu.memory_space<hbm>>) target(%arg9 : memref<256x256xf32, #tpu.memory_space<vmem>>) offsets(%arg8 : memref<256xi32, #tpu.memory_space<vmem>>) semaphore(%arg10 : memref<!tpu.dma_semaphore, #tpu.memory_space<semaphore_mem>>)
        %dma_wait3A = arith.constant 0 : i32
        %dma_wait3A_504 = arith.constant 0 : i32
        %dma_wait3A_505 = tpu.memref_slice %arg4[%dma_wait3A, %dma_wait3A_504] : memref<32768x256xf32, #tpu.memory_space<hbm>> -> memref<32768x256xf32, #tpu.memory_space<hbm>>
        tpu.wait_indirect_dma semaphore(%arg10 : memref<!tpu.dma_semaphore, #tpu.memory_space<semaphore_mem>>) src(%dma_wait3A_505 : memref<32768x256xf32, #tpu.memory_space<hbm>>) dst(%arg9 : memref<256x256xf32, #tpu.memory_space<vmem>>)
        %cond3A_506 = arith.constant 0 : i32
        scf.yield %cond3A_506 : i32
      }
      %add3A_145 = arith.constant 0 : i32
      %add3A_146 = arith.addi %add3A_145, %mul3A_2 : i32
      %add3A_147 = arith.addi %add3A_146, %mul3A_29 : i32
      %dma_start3A = arith.constant 0 : i32
      %dma_start3A_148 = arith.constant 0 : i32
      %dma_start3A_149 = tpu.memref_slice %arg9[%dma_start3A, %dma_start3A_148] : memref<256x256xf32, #tpu.memory_space<vmem>> -> memref<32x256xf32, #tpu.memory_space<vmem>>
      %dma_start3A_150 = arith.constant 0 : i32
      %dma_start3A_151 = tpu.memref_slice %arg5[%add3A_147, %dma_start3A_150] : memref<1600000x256xf32, #tpu.memory_space<hbm>> -> memref<32x256xf32, #tpu.memory_space<hbm>>
      %dma_start3A_152 = arith.constant 0 : i32
      %dma_start3A_153 = tpu.memref_slice %arg5[%add3A_147, %dma_start3A_152] : memref<1600000x256xf32, #tpu.memory_space<hbm>> -> memref<32x256xf32, #tpu.memory_space<hbm>>
      %dma_start3A_154 = arith.constant 0 : i32
      %dma_start3A_155 = arith.constant 0 : i32
      %dma_start3A_156 = tpu.memref_slice %arg9[%dma_start3A_154, %dma_start3A_155] : memref<256x256xf32, #tpu.memory_space<vmem>> -> memref<32x256xf32, #tpu.memory_space<vmem>>
      tpu.enqueue_dma source(%dma_start3A_156 : memref<32x256xf32, #tpu.memory_space<vmem>>) target(%dma_start3A_153 : memref<32x256xf32, #tpu.memory_space<hbm>>) target_semaphore(%arg11 : memref<!tpu.dma_semaphore, #tpu.memory_space<semaphore_mem>>)
      %add3A_157 = arith.constant 200000 : i32
      %add3A_158 = arith.addi %add3A_157, %mul3A_2 : i32
      %add3A_159 = arith.addi %add3A_158, %mul3A_29 : i32
      %dma_start3A_160 = arith.constant 32 : i32
      %dma_start3A_161 = arith.constant 0 : i32
      %dma_start3A_162 = tpu.memref_slice %arg9[%dma_start3A_160, %dma_start3A_161] : memref<256x256xf32, #tpu.memory_space<vmem>> -> memref<32x256xf32, #tpu.memory_space<vmem>>
      %dma_start3A_163 = arith.constant 0 : i32
      %dma_start3A_164 = tpu.memref_slice %arg5[%add3A_159, %dma_start3A_163] : memref<1600000x256xf32, #tpu.memory_space<hbm>> -> memref<32x256xf32, #tpu.memory_space<hbm>>
      %dma_start3A_165 = arith.constant 0 : i32
      %dma_start3A_166 = tpu.memref_slice %arg5[%add3A_159, %dma_start3A_165] : memref<1600000x256xf32, #tpu.memory_space<hbm>> -> memref<32x256xf32, #tpu.memory_space<hbm>>
      %dma_start3A_167 = arith.constant 32 : i32
      %dma_start3A_168 = arith.constant 0 : i32
      %dma_start3A_169 = tpu.memref_slice %arg9[%dma_start3A_167, %dma_start3A_168] : memref<256x256xf32, #tpu.memory_space<vmem>> -> memref<32x256xf32, #tpu.memory_space<vmem>>
      tpu.enqueue_dma source(%dma_start3A_169 : memref<32x256xf32, #tpu.memory_space<vmem>>) target(%dma_start3A_166 : memref<32x256xf32, #tpu.memory_space<hbm>>) target_semaphore(%arg11 : memref<!tpu.dma_semaphore, #tpu.memory_space<semaphore_mem>>)
      %add3A_170 = arith.constant 400000 : i32
      %add3A_171 = arith.addi %add3A_170, %mul3A_2 : i32
      %add3A_172 = arith.addi %add3A_171, %mul3A_29 : i32
      %dma_start3A_173 = arith.constant 64 : i32
      %dma_start3A_174 = arith.constant 0 : i32
      %dma_start3A_175 = tpu.memref_slice %arg9[%dma_start3A_173, %dma_start3A_174] : memref<256x256xf32, #tpu.memory_space<vmem>> -> memref<32x256xf32, #tpu.memory_space<vmem>>
      %dma_start3A_176 = arith.constant 0 : i32
      %dma_start3A_177 = tpu.memref_slice %arg5[%add3A_172, %dma_start3A_176] : memref<1600000x256xf32, #tpu.memory_space<hbm>> -> memref<32x256xf32, #tpu.memory_space<hbm>>
      %dma_start3A_178 = arith.constant 0 : i32
      %dma_start3A_179 = tpu.memref_slice %arg5[%add3A_172, %dma_start3A_178] : memref<1600000x256xf32, #tpu.memory_space<hbm>> -> memref<32x256xf32, #tpu.memory_space<hbm>>
      %dma_start3A_180 = arith.constant 64 : i32
      %dma_start3A_181 = arith.constant 0 : i32
      %dma_start3A_182 = tpu.memref_slice %arg9[%dma_start3A_180, %dma_start3A_181] : memref<256x256xf32, #tpu.memory_space<vmem>> -> memref<32x256xf32, #tpu.memory_space<vmem>>
      tpu.enqueue_dma source(%dma_start3A_182 : memref<32x256xf32, #tpu.memory_space<vmem>>) target(%dma_start3A_179 : memref<32x256xf32, #tpu.memory_space<hbm>>) target_semaphore(%arg11 : memref<!tpu.dma_semaphore, #tpu.memory_space<semaphore_mem>>)
      %add3A_183 = arith.constant 600000 : i32
      %add3A_184 = arith.addi %add3A_183, %mul3A_2 : i32
      %add3A_185 = arith.addi %add3A_184, %mul3A_29 : i32
      %dma_start3A_186 = arith.constant 96 : i32
      %dma_start3A_187 = arith.constant 0 : i32
      %dma_start3A_188 = tpu.memref_slice %arg9[%dma_start3A_186, %dma_start3A_187] : memref<256x256xf32, #tpu.memory_space<vmem>> -> memref<32x256xf32, #tpu.memory_space<vmem>>
      %dma_start3A_189 = arith.constant 0 : i32
      %dma_start3A_190 = tpu.memref_slice %arg5[%add3A_185, %dma_start3A_189] : memref<1600000x256xf32, #tpu.memory_space<hbm>> -> memref<32x256xf32, #tpu.memory_space<hbm>>
      %dma_start3A_191 = arith.constant 0 : i32
      %dma_start3A_192 = tpu.memref_slice %arg5[%add3A_185, %dma_start3A_191] : memref<1600000x256xf32, #tpu.memory_space<hbm>> -> memref<32x256xf32, #tpu.memory_space<hbm>>
      %dma_start3A_193 = arith.constant 96 : i32
      %dma_start3A_194 = arith.constant 0 : i32
      %dma_start3A_195 = tpu.memref_slice %arg9[%dma_start3A_193, %dma_start3A_194] : memref<256x256xf32, #tpu.memory_space<vmem>> -> memref<32x256xf32, #tpu.memory_space<vmem>>
      tpu.enqueue_dma source(%dma_start3A_195 : memref<32x256xf32, #tpu.memory_space<vmem>>) target(%dma_start3A_192 : memref<32x256xf32, #tpu.memory_space<hbm>>) target_semaphore(%arg11 : memref<!tpu.dma_semaphore, #tpu.memory_space<semaphore_mem>>)
      %add3A_196 = arith.constant 800000 : i32
      %add3A_197 = arith.addi %add3A_196, %mul3A_2 : i32
      %add3A_198 = arith.addi %add3A_197, %mul3A_29 : i32
      %dma_start3A_199 = arith.constant 128 : i32
      %dma_start3A_200 = arith.constant 0 : i32
      %dma_start3A_201 = tpu.memref_slice %arg9[%dma_start3A_199, %dma_start3A_200] : memref<256x256xf32, #tpu.memory_space<vmem>> -> memref<32x256xf32, #tpu.memory_space<vmem>>
      %dma_start3A_202 = arith.constant 0 : i32
      %dma_start3A_203 = tpu.memref_slice %arg5[%add3A_198, %dma_start3A_202] : memref<1600000x256xf32, #tpu.memory_space<hbm>> -> memref<32x256xf32, #tpu.memory_space<hbm>>
      %dma_start3A_204 = arith.constant 0 : i32
      %dma_start3A_205 = tpu.memref_slice %arg5[%add3A_198, %dma_start3A_204] : memref<1600000x256xf32, #tpu.memory_space<hbm>> -> memref<32x256xf32, #tpu.memory_space<hbm>>
      %dma_start3A_206 = arith.constant 128 : i32
      %dma_start3A_207 = arith.constant 0 : i32
      %dma_start3A_208 = tpu.memref_slice %arg9[%dma_start3A_206, %dma_start3A_207] : memref<256x256xf32, #tpu.memory_space<vmem>> -> memref<32x256xf32, #tpu.memory_space<vmem>>
      tpu.enqueue_dma source(%dma_start3A_208 : memref<32x256xf32, #tpu.memory_space<vmem>>) target(%dma_start3A_205 : memref<32x256xf32, #tpu.memory_space<hbm>>) target_semaphore(%arg11 : memref<!tpu.dma_semaphore, #tpu.memory_space<semaphore_mem>>)
      %add3A_209 = arith.constant 1000000 : i32
      %add3A_210 = arith.addi %add3A_209, %mul3A_2 : i32
      %add3A_211 = arith.addi %add3A_210, %mul3A_29 : i32
      %dma_start3A_212 = arith.constant 160 : i32
      %dma_start3A_213 = arith.constant 0 : i32
      %dma_start3A_214 = tpu.memref_slice %arg9[%dma_start3A_212, %dma_start3A_213] : memref<256x256xf32, #tpu.memory_space<vmem>> -> memref<32x256xf32, #tpu.memory_space<vmem>>
      %dma_start3A_215 = arith.constant 0 : i32
      %dma_start3A_216 = tpu.memref_slice %arg5[%add3A_211, %dma_start3A_215] : memref<1600000x256xf32, #tpu.memory_space<hbm>> -> memref<32x256xf32, #tpu.memory_space<hbm>>
      %dma_start3A_217 = arith.constant 0 : i32
      %dma_start3A_218 = tpu.memref_slice %arg5[%add3A_211, %dma_start3A_217] : memref<1600000x256xf32, #tpu.memory_space<hbm>> -> memref<32x256xf32, #tpu.memory_space<hbm>>
      %dma_start3A_219 = arith.constant 160 : i32
      %dma_start3A_220 = arith.constant 0 : i32
      %dma_start3A_221 = tpu.memref_slice %arg9[%dma_start3A_219, %dma_start3A_220] : memref<256x256xf32, #tpu.memory_space<vmem>> -> memref<32x256xf32, #tpu.memory_space<vmem>>
      tpu.enqueue_dma source(%dma_start3A_221 : memref<32x256xf32, #tpu.memory_space<vmem>>) target(%dma_start3A_218 : memref<32x256xf32, #tpu.memory_space<hbm>>) target_semaphore(%arg11 : memref<!tpu.dma_semaphore, #tpu.memory_space<semaphore_mem>>)
      %add3A_222 = arith.constant 1200000 : i32
      %add3A_223 = arith.addi %add3A_222, %mul3A_2 : i32
      %add3A_224 = arith.addi %add3A_223, %mul3A_29 : i32
      %dma_start3A_225 = arith.constant 192 : i32
      %dma_start3A_226 = arith.constant 0 : i32
      %dma_start3A_227 = tpu.memref_slice %arg9[%dma_start3A_225, %dma_start3A_226] : memref<256x256xf32, #tpu.memory_space<vmem>> -> memref<32x256xf32, #tpu.memory_space<vmem>>
      %dma_start3A_228 = arith.constant 0 : i32
      %dma_start3A_229 = tpu.memref_slice %arg5[%add3A_224, %dma_start3A_228] : memref<1600000x256xf32, #tpu.memory_space<hbm>> -> memref<32x256xf32, #tpu.memory_space<hbm>>
      %dma_start3A_230 = arith.constant 0 : i32
      %dma_start3A_231 = tpu.memref_slice %arg5[%add3A_224, %dma_start3A_230] : memref<1600000x256xf32, #tpu.memory_space<hbm>> -> memref<32x256xf32, #tpu.memory_space<hbm>>
      %dma_start3A_232 = arith.constant 192 : i32
      %dma_start3A_233 = arith.constant 0 : i32
      %dma_start3A_234 = tpu.memref_slice %arg9[%dma_start3A_232, %dma_start3A_233] : memref<256x256xf32, #tpu.memory_space<vmem>> -> memref<32x256xf32, #tpu.memory_space<vmem>>
      tpu.enqueue_dma source(%dma_start3A_234 : memref<32x256xf32, #tpu.memory_space<vmem>>) target(%dma_start3A_231 : memref<32x256xf32, #tpu.memory_space<hbm>>) target_semaphore(%arg11 : memref<!tpu.dma_semaphore, #tpu.memory_space<semaphore_mem>>)
      %add3A_235 = arith.constant 1400000 : i32
      %add3A_236 = arith.addi %add3A_235, %mul3A_2 : i32
      %add3A_237 = arith.addi %add3A_236, %mul3A_29 : i32
      %dma_start3A_238 = arith.constant 224 : i32
      %dma_start3A_239 = arith.constant 0 : i32
      %dma_start3A_240 = tpu.memref_slice %arg9[%dma_start3A_238, %dma_start3A_239] : memref<256x256xf32, #tpu.memory_space<vmem>> -> memref<32x256xf32, #tpu.memory_space<vmem>>
      %dma_start3A_241 = arith.constant 0 : i32
      %dma_start3A_242 = tpu.memref_slice %arg5[%add3A_237, %dma_start3A_241] : memref<1600000x256xf32, #tpu.memory_space<hbm>> -> memref<32x256xf32, #tpu.memory_space<hbm>>
      %dma_start3A_243 = arith.constant 0 : i32
      %dma_start3A_244 = tpu.memref_slice %arg5[%add3A_237, %dma_start3A_243] : memref<1600000x256xf32, #tpu.memory_space<hbm>> -> memref<32x256xf32, #tpu.memory_space<hbm>>
      %dma_start3A_245 = arith.constant 224 : i32
      %dma_start3A_246 = arith.constant 0 : i32
      %dma_start3A_247 = tpu.memref_slice %arg9[%dma_start3A_245, %dma_start3A_246] : memref<256x256xf32, #tpu.memory_space<vmem>> -> memref<32x256xf32, #tpu.memory_space<vmem>>
      tpu.enqueue_dma source(%dma_start3A_247 : memref<32x256xf32, #tpu.memory_space<vmem>>) target(%dma_start3A_244 : memref<32x256xf32, #tpu.memory_space<hbm>>) target_semaphore(%arg11 : memref<!tpu.dma_semaphore, #tpu.memory_space<semaphore_mem>>)
      %add3A_248 = arith.constant 8 : i32
      %add3A_249 = arith.addi %cond3A_144, %add3A_248 : i32
      %sub3A_250 = arith.constant 24 : i32
      %sub3A_251 = arith.subi %add3A_249, %sub3A_250 : i32
      %max3A_252 = arith.constant 0 : i32
      %max3A_253 = arith.maxsi %sub3A_251, %max3A_252 : i32
      %while3A_254 = arith.constant 0 : i32
      %while3A_255 = arith.constant 0 : i32
      %while3A_256 = arith.subi %max3A_253, %while3A_255 : i32
      %while3A_257 = arith.addi %while3A_255, %while3A_256 : i32
      %while3A_258 = arith.constant 1 : i32
      %while3A_259 = arith.divsi %while3A_256, %while3A_258 : i32
      %while3A_260 = arith.muli %while3A_259, %while3A_258 : i32
      %while3A_261 = arith.addi %while3A_255, %while3A_260 : i32
      %while3A_262 = arith.constant 1 : i32
      scf.for %while3A_265 = %while3A_255 to %while3A_261 step %while3A_262  : i32 {
        %dma_wait3A = arith.constant 0 : i32
        %dma_wait3A_266 = arith.constant 0 : i32
        %dma_wait3A_267 = tpu.memref_slice %arg9[%dma_wait3A, %dma_wait3A_266] : memref<256x256xf32, #tpu.memory_space<vmem>> -> memref<32x256xf32, #tpu.memory_space<vmem>>
        %dma_wait3A_268 = arith.constant 0 : i32
        %dma_wait3A_269 = arith.constant 0 : i32
        %dma_wait3A_270 = tpu.memref_slice %arg5[%dma_wait3A_268, %dma_wait3A_269] : memref<1600000x256xf32, #tpu.memory_space<hbm>> -> memref<32x256xf32, #tpu.memory_space<hbm>>
        %dma_wait3A_271 = arith.constant 0 : i32
        %dma_wait3A_272 = arith.constant 0 : i32
        %dma_wait3A_273 = tpu.memref_slice %arg9[%dma_wait3A_271, %dma_wait3A_272] : memref<256x256xf32, #tpu.memory_space<vmem>> -> memref<32x256xf32, #tpu.memory_space<vmem>>
        %dma_wait3A_274 = arith.constant 0 : i32
        %dma_wait3A_275 = arith.constant 0 : i32
        %dma_wait3A_276 = tpu.memref_slice %arg5[%dma_wait3A_274, %dma_wait3A_275] : memref<1600000x256xf32, #tpu.memory_space<hbm>> -> memref<32x256xf32, #tpu.memory_space<hbm>>
        tpu.wait_dma2 semaphore(%arg11 : memref<!tpu.dma_semaphore, #tpu.memory_space<semaphore_mem>>) src(%dma_wait3A_276 : memref<32x256xf32, #tpu.memory_space<hbm>>) dst(%dma_wait3A_273 : memref<32x256xf32, #tpu.memory_space<vmem>>)
      }
      %while3A_263 = arith.constant 1 : i32
      scf.for %while3A_265 = %while3A_261 to %while3A_257 step %while3A_263  : i32 {
        %dma_wait3A = arith.constant 0 : i32
        %dma_wait3A_266 = arith.constant 0 : i32
        %dma_wait3A_267 = tpu.memref_slice %arg9[%dma_wait3A, %dma_wait3A_266] : memref<256x256xf32, #tpu.memory_space<vmem>> -> memref<32x256xf32, #tpu.memory_space<vmem>>
        %dma_wait3A_268 = arith.constant 0 : i32
        %dma_wait3A_269 = arith.constant 0 : i32
        %dma_wait3A_270 = tpu.memref_slice %arg5[%dma_wait3A_268, %dma_wait3A_269] : memref<1600000x256xf32, #tpu.memory_space<hbm>> -> memref<32x256xf32, #tpu.memory_space<hbm>>
        %dma_wait3A_271 = arith.constant 0 : i32
        %dma_wait3A_272 = arith.constant 0 : i32
        %dma_wait3A_273 = tpu.memref_slice %arg9[%dma_wait3A_271, %dma_wait3A_272] : memref<256x256xf32, #tpu.memory_space<vmem>> -> memref<32x256xf32, #tpu.memory_space<vmem>>
        %dma_wait3A_274 = arith.constant 0 : i32
        %dma_wait3A_275 = arith.constant 0 : i32
        %dma_wait3A_276 = tpu.memref_slice %arg5[%dma_wait3A_274, %dma_wait3A_275] : memref<1600000x256xf32, #tpu.memory_space<hbm>> -> memref<32x256xf32, #tpu.memory_space<hbm>>
        tpu.wait_dma2 semaphore(%arg11 : memref<!tpu.dma_semaphore, #tpu.memory_space<semaphore_mem>>) src(%dma_wait3A_276 : memref<32x256xf32, #tpu.memory_space<hbm>>) dst(%dma_wait3A_273 : memref<32x256xf32, #tpu.memory_space<vmem>>)
      }
      %sub3A_264 = arith.subi %add3A_249, %max3A_253 : i32
      scf.yield %sub3A_264 : i32
    }
    %while3A_14 = arith.constant 1 : i32
    %while3A_15 = scf.for %while3A_26 = %while3A_11 to %while3A_7 step %while3A_14 iter_args(%while3A_27 = %while3A_13) -> (i32)  : i32 {
      %mul3A_28 = arith.constant 32 : i32
      %mul3A_29 = arith.muli %while3A_26, %mul3A_28 : i32
      %sub3A = arith.constant 32 : i32
      %sub3A_30 = arith.subi %mul3A_29, %sub3A : i32
      %max3A = arith.constant 0 : i32
      %max3A_31 = arith.maxsi %sub3A_30, %max3A : i32
      %add3A_32 = arith.constant 0 : i32
      %add3A_33 = arith.addi %mul3A_29, %add3A_32 : i32
      %get3A = arith.index_cast %add3A_33 : i32 to index
      %get3A_34 = tpu.vector_load %arg6[%get3A] {strides = array<i32>} : memref<6400xf32, #tpu.memory_space<vmem>>, vector<16xf32>,
      %get3A_35 = vector.shape_cast %get3A_34 : vector<16xf32> to vector<16xf32>
      %add3A_36 = arith.constant 0 : i32
      %add3A_37 = arith.addi %max3A_31, %add3A_36 : i32
      %get3A_38 = arith.index_cast %add3A_37 : i32 to index
      %get3A_39 = tpu.vector_load %arg6[%get3A_38] {strides = array<i32>} : memref<6400xf32, #tpu.memory_space<vmem>>, vector<16xf32>,
      %get3A_40 = vector.shape_cast %get3A_39 : vector<16xf32> to vector<16xf32>
      %ne3A = arith.cmpf one, %get3A_35, %get3A_40 : vector<16xf32>
      %jit3A_41 = arith.constant 1 : i32
      %jit3A_42 = arith.constant 0 : i32
      %broadcast_in_dim3A = vector.broadcast %jit3A_41 : i32 to vector<16xi32>
      %broadcast_in_dim3A_43 = vector.broadcast %jit3A_42 : i32 to vector<16xi32>
      %select_n3A_44 = arith.select %ne3A, %broadcast_in_dim3A, %broadcast_in_dim3A_43 : vector<16xi1>, vector<16xi32>
      %add3A_45 = arith.constant 0 : i32
      %add3A_46 = arith.addi %mul3A_29, %add3A_45 : i32
      %get3A_47 = arith.index_cast %add3A_46 : i32 to index
      %get3A_48 = tpu.vector_load %arg7[%get3A_47] {strides = array<i32>} : memref<6400xf32, #tpu.memory_space<vmem>>, vector<16xf32>,
      %get3A_49 = vector.shape_cast %get3A_48 : vector<16xf32> to vector<16xf32>
      %add3A_50 = arith.constant 0 : i32
      %add3A_51 = arith.addi %max3A_31, %add3A_50 : i32
      %get3A_52 = arith.index_cast %add3A_51 : i32 to index
      %get3A_53 = tpu.vector_load %arg7[%get3A_52] {strides = array<i32>} : memref<6400xf32, #tpu.memory_space<vmem>>, vector<16xf32>,
      %get3A_54 = vector.shape_cast %get3A_53 : vector<16xf32> to vector<16xf32>
      %ne3A_55 = arith.cmpf one, %get3A_49, %get3A_54 : vector<16xf32>
      %jit3A_56 = arith.constant 1 : i32
      %jit3A_57 = arith.constant 0 : i32
      %broadcast_in_dim3A_58 = vector.broadcast %jit3A_56 : i32 to vector<16xi32>
      %broadcast_in_dim3A_59 = vector.broadcast %jit3A_57 : i32 to vector<16xi32>
      %select_n3A_60 = arith.select %ne3A_55, %broadcast_in_dim3A_58, %broadcast_in_dim3A_59 : vector<16xi1>, vector<16xi32>
      %add3A_61 = arith.addi %select_n3A_44, %select_n3A_60 : vector<16xi32>
      %add3A_62 = arith.constant 16 : i32
      %add3A_63 = arith.addi %mul3A_29, %add3A_62 : i32
      %get3A_64 = arith.index_cast %add3A_63 : i32 to index
      %get3A_65 = tpu.vector_load %arg6[%get3A_64] {strides = array<i32>} : memref<6400xf32, #tpu.memory_space<vmem>>, vector<16xf32>,
      %get3A_66 = vector.shape_cast %get3A_65 : vector<16xf32> to vector<16xf32>
      %add3A_67 = arith.constant 16 : i32
      %add3A_68 = arith.addi %max3A_31, %add3A_67 : i32
      %get3A_69 = arith.index_cast %add3A_68 : i32 to index
      %get3A_70 = tpu.vector_load %arg6[%get3A_69] {strides = array<i32>} : memref<6400xf32, #tpu.memory_space<vmem>>, vector<16xf32>,
      %get3A_71 = vector.shape_cast %get3A_70 : vector<16xf32> to vector<16xf32>
      %ne3A_72 = arith.cmpf one, %get3A_66, %get3A_71 : vector<16xf32>
      %jit3A_73 = arith.constant 1 : i32
      %jit3A_74 = arith.constant 0 : i32
      %broadcast_in_dim3A_75 = vector.broadcast %jit3A_73 : i32 to vector<16xi32>
      %broadcast_in_dim3A_76 = vector.broadcast %jit3A_74 : i32 to vector<16xi32>
      %select_n3A_77 = arith.select %ne3A_72, %broadcast_in_dim3A_75, %broadcast_in_dim3A_76 : vector<16xi1>, vector<16xi32>
      %add3A_78 = arith.constant 16 : i32
      %add3A_79 = arith.addi %mul3A_29, %add3A_78 : i32
      %get3A_80 = arith.index_cast %add3A_79 : i32 to index
      %get3A_81 = tpu.vector_load %arg7[%get3A_80] {strides = array<i32>} : memref<6400xf32, #tpu.memory_space<vmem>>, vector<16xf32>,
      %get3A_82 = vector.shape_cast %get3A_81 : vector<16xf32> to vector<16xf32>
      %add3A_83 = arith.constant 16 : i32
      %add3A_84 = arith.addi %max3A_31, %add3A_83 : i32
      %get3A_85 = arith.index_cast %add3A_84 : i32 to index
      %get3A_86 = tpu.vector_load %arg7[%get3A_85] {strides = array<i32>} : memref<6400xf32, #tpu.memory_space<vmem>>, vector<16xf32>,
      %get3A_87 = vector.shape_cast %get3A_86 : vector<16xf32> to vector<16xf32>
      %ne3A_88 = arith.cmpf one, %get3A_82, %get3A_87 : vector<16xf32>
      %jit3A_89 = arith.constant 1 : i32
      %jit3A_90 = arith.constant 0 : i32
      %broadcast_in_dim3A_91 = vector.broadcast %jit3A_89 : i32 to vector<16xi32>
      %broadcast_in_dim3A_92 = vector.broadcast %jit3A_90 : i32 to vector<16xi32>
      %select_n3A_93 = arith.select %ne3A_88, %broadcast_in_dim3A_91, %broadcast_in_dim3A_92 : vector<16xi1>, vector<16xi32>
      %add3A_94 = arith.addi %select_n3A_77, %select_n3A_93 : vector<16xi32>
      %add3A_95 = arith.addi %add3A_61, %add3A_94 : vector<16xi32>
      %slice3A = vector.extract_strided_slice %add3A_95 {offsets = [0], sizes = [1], strides = [1]} : vector<16xi32> to vector<1xi32>
      %squeeze3A = vector.extract %slice3A[0] : i32 from vector<1xi32>
      %slice3A_96 = vector.extract_strided_slice %add3A_95 {offsets = [1], sizes = [1], strides = [1]} : vector<16xi32> to vector<1xi32>
      %squeeze3A_97 = vector.extract %slice3A_96[0] : i32 from vector<1xi32>
      %add3A_98 = arith.addi %squeeze3A, %squeeze3A_97 : i32
      %slice3A_99 = vector.extract_strided_slice %add3A_95 {offsets = [2], sizes = [1], strides = [1]} : vector<16xi32> to vector<1xi32>
      %squeeze3A_100 = vector.extract %slice3A_99[0] : i32 from vector<1xi32>
      %add3A_101 = arith.addi %add3A_98, %squeeze3A_100 : i32
      %slice3A_102 = vector.extract_strided_slice %add3A_95 {offsets = [3], sizes = [1], strides = [1]} : vector<16xi32> to vector<1xi32>
      %squeeze3A_103 = vector.extract %slice3A_102[0] : i32 from vector<1xi32>
      %add3A_104 = arith.addi %add3A_101, %squeeze3A_103 : i32
      %slice3A_105 = vector.extract_strided_slice %add3A_95 {offsets = [4], sizes = [1], strides = [1]} : vector<16xi32> to vector<1xi32>
      %squeeze3A_106 = vector.extract %slice3A_105[0] : i32 from vector<1xi32>
      %add3A_107 = arith.addi %add3A_104, %squeeze3A_106 : i32
      %slice3A_108 = vector.extract_strided_slice %add3A_95 {offsets = [5], sizes = [1], strides = [1]} : vector<16xi32> to vector<1xi32>
      %squeeze3A_109 = vector.extract %slice3A_108[0] : i32 from vector<1xi32>
      %add3A_110 = arith.addi %add3A_107, %squeeze3A_109 : i32
      %slice3A_111 = vector.extract_strided_slice %add3A_95 {offsets = [6], sizes = [1], strides = [1]} : vector<16xi32> to vector<1xi32>
      %squeeze3A_112 = vector.extract %slice3A_111[0] : i32 from vector<1xi32>
      %add3A_113 = arith.addi %add3A_110, %squeeze3A_112 : i32
      %slice3A_114 = vector.extract_strided_slice %add3A_95 {offsets = [7], sizes = [1], strides = [1]} : vector<16xi32> to vector<1xi32>
      %squeeze3A_115 = vector.extract %slice3A_114[0] : i32 from vector<1xi32>
      %add3A_116 = arith.addi %add3A_113, %squeeze3A_115 : i32
      %slice3A_117 = vector.extract_strided_slice %add3A_95 {offsets = [8], sizes = [1], strides = [1]} : vector<16xi32> to vector<1xi32>
      %squeeze3A_118 = vector.extract %slice3A_117[0] : i32 from vector<1xi32>
      %add3A_119 = arith.addi %add3A_116, %squeeze3A_118 : i32
      %slice3A_120 = vector.extract_strided_slice %add3A_95 {offsets = [9], sizes = [1], strides = [1]} : vector<16xi32> to vector<1xi32>
      %squeeze3A_121 = vector.extract %slice3A_120[0] : i32 from vector<1xi32>
      %add3A_122 = arith.addi %add3A_119, %squeeze3A_121 : i32
      %slice3A_123 = vector.extract_strided_slice %add3A_95 {offsets = [10], sizes = [1], strides = [1]} : vector<16xi32> to vector<1xi32>
      %squeeze3A_124 = vector.extract %slice3A_123[0] : i32 from vector<1xi32>
      %add3A_125 = arith.addi %add3A_122, %squeeze3A_124 : i32
      %slice3A_126 = vector.extract_strided_slice %add3A_95 {offsets = [11], sizes = [1], strides = [1]} : vector<16xi32> to vector<1xi32>
      %squeeze3A_127 = vector.extract %slice3A_126[0] : i32 from vector<1xi32>
      %add3A_128 = arith.addi %add3A_125, %squeeze3A_127 : i32
      %slice3A_129 = vector.extract_strided_slice %add3A_95 {offsets = [12], sizes = [1], strides = [1]} : vector<16xi32> to vector<1xi32>
      %squeeze3A_130 = vector.extract %slice3A_129[0] : i32 from vector<1xi32>
      %add3A_131 = arith.addi %add3A_128, %squeeze3A_130 : i32
      %slice3A_132 = vector.extract_strided_slice %add3A_95 {offsets = [13], sizes = [1], strides = [1]} : vector<16xi32> to vector<1xi32>
      %squeeze3A_133 = vector.extract %slice3A_132[0] : i32 from vector<1xi32>
      %add3A_134 = arith.addi %add3A_131, %squeeze3A_133 : i32
      %slice3A_135 = vector.extract_strided_slice %add3A_95 {offsets = [14], sizes = [1], strides = [1]} : vector<16xi32> to vector<1xi32>
      %squeeze3A_136 = vector.extract %slice3A_135[0] : i32 from vector<1xi32>
      %add3A_137 = arith.addi %add3A_134, %squeeze3A_136 : i32
      %slice3A_138 = vector.extract_strided_slice %add3A_95 {offsets = [15], sizes = [1], strides = [1]} : vector<16xi32> to vector<1xi32>
      %squeeze3A_139 = vector.extract %slice3A_138[0] : i32 from vector<1xi32>
      %add3A_140 = arith.addi %add3A_137, %squeeze3A_139 : i32
      %gt3A = arith.constant 0 : i32
      %gt3A_141 = arith.cmpi sgt, %while3A_26, %gt3A : i32
      %eq3A = arith.constant 0 : i32
      %eq3A_142 = arith.cmpi eq, %add3A_140, %eq3A : i32
      %and3A = arith.andi %gt3A_141, %eq3A_142 : i1
      %convert_element_type3A = arith.extui %and3A : i1 to i32
      %cond3A = arith.constant 0 : i32
      %cond3A_143 = arith.cmpi ne, %convert_element_type3A, %cond3A : i32
      %cond3A_144 = scf.if %cond3A_143 -> (i32) {
        scf.yield %while3A_27 : i32
      } else {
        %while3A_265 = arith.constant 0 : i32
        %while3A_266 = arith.constant 0 : i32
        %while3A_267 = arith.subi %while3A_27, %while3A_266 : i32
        %while3A_268 = arith.addi %while3A_266, %while3A_267 : i32
        %while3A_269 = arith.constant 1 : i32
        %while3A_270 = arith.divsi %while3A_267, %while3A_269 : i32
        %while3A_271 = arith.muli %while3A_270, %while3A_269 : i32
        %while3A_272 = arith.addi %while3A_266, %while3A_271 : i32
        %while3A_273 = arith.constant 1 : i32
        scf.for %while3A_507 = %while3A_266 to %while3A_272 step %while3A_273  : i32 {
          %dma_wait3A_508 = arith.constant 0 : i32
          %dma_wait3A_509 = arith.constant 0 : i32
          %dma_wait3A_510 = tpu.memref_slice %arg9[%dma_wait3A_508, %dma_wait3A_509] : memref<256x256xf32, #tpu.memory_space<vmem>> -> memref<32x256xf32, #tpu.memory_space<vmem>>
          %dma_wait3A_511 = arith.constant 0 : i32
          %dma_wait3A_512 = arith.constant 0 : i32
          %dma_wait3A_513 = tpu.memref_slice %arg5[%dma_wait3A_511, %dma_wait3A_512] : memref<1600000x256xf32, #tpu.memory_space<hbm>> -> memref<32x256xf32, #tpu.memory_space<hbm>>
          %dma_wait3A_514 = arith.constant 0 : i32
          %dma_wait3A_515 = arith.constant 0 : i32
          %dma_wait3A_516 = tpu.memref_slice %arg9[%dma_wait3A_514, %dma_wait3A_515] : memref<256x256xf32, #tpu.memory_space<vmem>> -> memref<32x256xf32, #tpu.memory_space<vmem>>
          %dma_wait3A_517 = arith.constant 0 : i32
          %dma_wait3A_518 = arith.constant 0 : i32
          %dma_wait3A_519 = tpu.memref_slice %arg5[%dma_wait3A_517, %dma_wait3A_518] : memref<1600000x256xf32, #tpu.memory_space<hbm>> -> memref<32x256xf32, #tpu.memory_space<hbm>>
          tpu.wait_dma2 semaphore(%arg11 : memref<!tpu.dma_semaphore, #tpu.memory_space<semaphore_mem>>) src(%dma_wait3A_519 : memref<32x256xf32, #tpu.memory_space<hbm>>) dst(%dma_wait3A_516 : memref<32x256xf32, #tpu.memory_space<vmem>>)
        }
        %while3A_274 = arith.constant 1 : i32
        scf.for %while3A_507 = %while3A_272 to %while3A_268 step %while3A_274  : i32 {
          %dma_wait3A_508 = arith.constant 0 : i32
          %dma_wait3A_509 = arith.constant 0 : i32
          %dma_wait3A_510 = tpu.memref_slice %arg9[%dma_wait3A_508, %dma_wait3A_509] : memref<256x256xf32, #tpu.memory_space<vmem>> -> memref<32x256xf32, #tpu.memory_space<vmem>>
          %dma_wait3A_511 = arith.constant 0 : i32
          %dma_wait3A_512 = arith.constant 0 : i32
          %dma_wait3A_513 = tpu.memref_slice %arg5[%dma_wait3A_511, %dma_wait3A_512] : memref<1600000x256xf32, #tpu.memory_space<hbm>> -> memref<32x256xf32, #tpu.memory_space<hbm>>
          %dma_wait3A_514 = arith.constant 0 : i32
          %dma_wait3A_515 = arith.constant 0 : i32
          %dma_wait3A_516 = tpu.memref_slice %arg9[%dma_wait3A_514, %dma_wait3A_515] : memref<256x256xf32, #tpu.memory_space<vmem>> -> memref<32x256xf32, #tpu.memory_space<vmem>>
          %dma_wait3A_517 = arith.constant 0 : i32
          %dma_wait3A_518 = arith.constant 0 : i32
          %dma_wait3A_519 = tpu.memref_slice %arg5[%dma_wait3A_517, %dma_wait3A_518] : memref<1600000x256xf32, #tpu.memory_space<hbm>> -> memref<32x256xf32, #tpu.memory_space<hbm>>
          tpu.wait_dma2 semaphore(%arg11 : memref<!tpu.dma_semaphore, #tpu.memory_space<semaphore_mem>>) src(%dma_wait3A_519 : memref<32x256xf32, #tpu.memory_space<hbm>>) dst(%dma_wait3A_516 : memref<32x256xf32, #tpu.memory_space<vmem>>)
        }
        %add3A_275 = arith.constant 0 : i32
        %add3A_276 = arith.addi %mul3A_29, %add3A_275 : i32
        %get3A_277 = arith.index_cast %add3A_276 : i32 to index
        %get3A_278 = tpu.vector_load %arg6[%get3A_277] {strides = array<i32>} : memref<6400xf32, #tpu.memory_space<vmem>>, vector<16xf32>,
        %get3A_279 = vector.shape_cast %get3A_278 : vector<16xf32> to vector<16xf32>
        %add3A_280 = arith.constant 0 : i32
        %add3A_281 = arith.addi %mul3A_29, %add3A_280 : i32
        %get3A_282 = arith.index_cast %add3A_281 : i32 to index
        %get3A_283 = tpu.vector_load %arg7[%get3A_282] {strides = array<i32>} : memref<6400xf32, #tpu.memory_space<vmem>>, vector<16xf32>,
        %get3A_284 = vector.shape_cast %get3A_283 : vector<16xf32> to vector<16xf32>
        %convert_element_type3A_285 = arith.fptosi %get3A_279 : vector<16xf32> to vector<16xi32>
        %convert_element_type3A_286 = arith.sitofp %convert_element_type3A_285 : vector<16xi32> to vector<16xf32>
        %gt3A_287 = arith.cmpf ogt, %convert_element_type3A_286, %get3A_279 : vector<16xf32>
        %sub3A_288 = arith.constant 1 : i32
        %sub3A_289 = vector.broadcast %sub3A_288 : i32 to vector<16xi32>
        %sub3A_290 = arith.subi %convert_element_type3A_285, %sub3A_289 : vector<16xi32>
        %select_n3A_291 = arith.select %gt3A_287, %sub3A_290, %convert_element_type3A_285 : vector<16xi1>, vector<16xi32>
        %convert_element_type3A_292 = arith.fptosi %get3A_284 : vector<16xf32> to vector<16xi32>
        %convert_element_type3A_293 = arith.sitofp %convert_element_type3A_292 : vector<16xi32> to vector<16xf32>
        %gt3A_294 = arith.cmpf ogt, %convert_element_type3A_293, %get3A_284 : vector<16xf32>
        %sub3A_295 = arith.constant 1 : i32
        %sub3A_296 = vector.broadcast %sub3A_295 : i32 to vector<16xi32>
        %sub3A_297 = arith.subi %convert_element_type3A_292, %sub3A_296 : vector<16xi32>
        %select_n3A_298 = arith.select %gt3A_294, %sub3A_297, %convert_element_type3A_292 : vector<16xi1>, vector<16xi32>
        %jit3A_299 = arith.constant 0 : i32
        %jit3A_300 = arith.constant 127 : i32
        %max3A_301 = vector.broadcast %jit3A_299 : i32 to vector<16xi32>
        %max3A_302 = arith.maxsi %max3A_301, %select_n3A_291 : vector<16xi32>
        %min3A = vector.broadcast %jit3A_300 : i32 to vector<16xi32>
        %min3A_303 = arith.minsi %min3A, %max3A_302 : vector<16xi32>
        %add3A_304 = arith.constant 1 : i32
        %add3A_305 = vector.broadcast %add3A_304 : i32 to vector<16xi32>
        %add3A_306 = arith.addi %select_n3A_291, %add3A_305 : vector<16xi32>
        %jit3A_307 = arith.constant 0 : i32
        %jit3A_308 = arith.constant 127 : i32
        %max3A_309 = vector.broadcast %jit3A_307 : i32 to vector<16xi32>
        %max3A_310 = arith.maxsi %max3A_309, %add3A_306 : vector<16xi32>
        %min3A_311 = vector.broadcast %jit3A_308 : i32 to vector<16xi32>
        %min3A_312 = arith.minsi %min3A_311, %max3A_310 : vector<16xi32>
        %jit3A_313 = arith.constant 0 : i32
        %jit3A_314 = arith.constant 127 : i32
        %max3A_315 = vector.broadcast %jit3A_313 : i32 to vector<16xi32>
        %max3A_316 = arith.maxsi %max3A_315, %select_n3A_298 : vector<16xi32>
        %min3A_317 = vector.broadcast %jit3A_314 : i32 to vector<16xi32>
        %min3A_318 = arith.minsi %min3A_317, %max3A_316 : vector<16xi32>
        %add3A_319 = arith.constant 1 : i32
        %add3A_320 = vector.broadcast %add3A_319 : i32 to vector<16xi32>
        %add3A_321 = arith.addi %select_n3A_298, %add3A_320 : vector<16xi32>
        %jit3A_322 = arith.constant 0 : i32
        %jit3A_323 = arith.constant 127 : i32
        %max3A_324 = vector.broadcast %jit3A_322 : i32 to vector<16xi32>
        %max3A_325 = arith.maxsi %max3A_324, %add3A_321 : vector<16xi32>
        %min3A_326 = vector.broadcast %jit3A_323 : i32 to vector<16xi32>
        %min3A_327 = arith.minsi %min3A_326, %max3A_325 : vector<16xi32>
        %mul3A_328 = arith.constant 128 : i32
        %mul3A_329 = vector.broadcast %mul3A_328 : i32 to vector<16xi32>
        %mul3A_330 = arith.muli %min3A_318, %mul3A_329 : vector<16xi32>
        %add3A_331 = arith.addi %mul3A_330, %min3A_303 : vector<16xi32>
        %mul3A_332 = arith.constant 128 : i32
        %mul3A_333 = vector.broadcast %mul3A_332 : i32 to vector<16xi32>
        %mul3A_334 = arith.muli %min3A_327, %mul3A_333 : vector<16xi32>
        %add3A_335 = arith.addi %mul3A_334, %min3A_303 : vector<16xi32>
        %mul3A_336 = arith.constant 128 : i32
        %mul3A_337 = vector.broadcast %mul3A_336 : i32 to vector<16xi32>
        %mul3A_338 = arith.muli %min3A_318, %mul3A_337 : vector<16xi32>
        %add3A_339 = arith.addi %mul3A_338, %min3A_312 : vector<16xi32>
        %mul3A_340 = arith.constant 128 : i32
        %mul3A_341 = vector.broadcast %mul3A_340 : i32 to vector<16xi32>
        %mul3A_342 = arith.muli %min3A_327, %mul3A_341 : vector<16xi32>
        %add3A_343 = arith.addi %mul3A_342, %min3A_312 : vector<16xi32>
        %swap3A = arith.constant 0 : index
        %swap3A_344 = tpu.vector_load %arg8[%swap3A] {strides = array<i32>} : memref<256xi32, #tpu.memory_space<vmem>>, vector<16xi32>,
        %swap3A_345 = vector.shape_cast %swap3A_344 : vector<16xi32> to vector<16xi32>
        %swap3A_346 = vector.shape_cast %add3A_331 : vector<16xi32> to vector<16xi32>
        tpu.vector_store %arg8[%swap3A], %swap3A_346 {strides = array<i32>} : memref<256xi32, #tpu.memory_space<vmem>>, vector<16xi32>,
        %swap3A_347 = arith.constant 32 : index
        %swap3A_348 = tpu.vector_load %arg8[%swap3A_347] {strides = array<i32>} : memref<256xi32, #tpu.memory_space<vmem>>, vector<16xi32>,
        %swap3A_349 = vector.shape_cast %swap3A_348 : vector<16xi32> to vector<16xi32>
        %swap3A_350 = vector.shape_cast %add3A_335 : vector<16xi32> to vector<16xi32>
        tpu.vector_store %arg8[%swap3A_347], %swap3A_350 {strides = array<i32>} : memref<256xi32, #tpu.memory_space<vmem>>, vector<16xi32>,
        %swap3A_351 = arith.constant 64 : index
        %swap3A_352 = tpu.vector_load %arg8[%swap3A_351] {strides = array<i32>} : memref<256xi32, #tpu.memory_space<vmem>>, vector<16xi32>,
        %swap3A_353 = vector.shape_cast %swap3A_352 : vector<16xi32> to vector<16xi32>
        %swap3A_354 = vector.shape_cast %add3A_339 : vector<16xi32> to vector<16xi32>
        tpu.vector_store %arg8[%swap3A_351], %swap3A_354 {strides = array<i32>} : memref<256xi32, #tpu.memory_space<vmem>>, vector<16xi32>,
        %swap3A_355 = arith.constant 96 : index
        %swap3A_356 = tpu.vector_load %arg8[%swap3A_355] {strides = array<i32>} : memref<256xi32, #tpu.memory_space<vmem>>, vector<16xi32>,
        %swap3A_357 = vector.shape_cast %swap3A_356 : vector<16xi32> to vector<16xi32>
        %swap3A_358 = vector.shape_cast %add3A_343 : vector<16xi32> to vector<16xi32>
        tpu.vector_store %arg8[%swap3A_355], %swap3A_358 {strides = array<i32>} : memref<256xi32, #tpu.memory_space<vmem>>, vector<16xi32>,
        %add3A_359 = arith.constant 16384 : i32
        %add3A_360 = vector.broadcast %add3A_359 : i32 to vector<16xi32>
        %add3A_361 = arith.addi %add3A_331, %add3A_360 : vector<16xi32>
        %swap3A_362 = arith.constant 128 : index
        %swap3A_363 = tpu.vector_load %arg8[%swap3A_362] {strides = array<i32>} : memref<256xi32, #tpu.memory_space<vmem>>, vector<16xi32>,
        %swap3A_364 = vector.shape_cast %swap3A_363 : vector<16xi32> to vector<16xi32>
        %swap3A_365 = vector.shape_cast %add3A_361 : vector<16xi32> to vector<16xi32>
        tpu.vector_store %arg8[%swap3A_362], %swap3A_365 {strides = array<i32>} : memref<256xi32, #tpu.memory_space<vmem>>, vector<16xi32>,
        %add3A_366 = arith.constant 16384 : i32
        %add3A_367 = vector.broadcast %add3A_366 : i32 to vector<16xi32>
        %add3A_368 = arith.addi %add3A_335, %add3A_367 : vector<16xi32>
        %swap3A_369 = arith.constant 160 : index
        %swap3A_370 = tpu.vector_load %arg8[%swap3A_369] {strides = array<i32>} : memref<256xi32, #tpu.memory_space<vmem>>, vector<16xi32>,
        %swap3A_371 = vector.shape_cast %swap3A_370 : vector<16xi32> to vector<16xi32>
        %swap3A_372 = vector.shape_cast %add3A_368 : vector<16xi32> to vector<16xi32>
        tpu.vector_store %arg8[%swap3A_369], %swap3A_372 {strides = array<i32>} : memref<256xi32, #tpu.memory_space<vmem>>, vector<16xi32>,
        %add3A_373 = arith.constant 16384 : i32
        %add3A_374 = vector.broadcast %add3A_373 : i32 to vector<16xi32>
        %add3A_375 = arith.addi %add3A_339, %add3A_374 : vector<16xi32>
        %swap3A_376 = arith.constant 192 : index
        %swap3A_377 = tpu.vector_load %arg8[%swap3A_376] {strides = array<i32>} : memref<256xi32, #tpu.memory_space<vmem>>, vector<16xi32>,
        %swap3A_378 = vector.shape_cast %swap3A_377 : vector<16xi32> to vector<16xi32>
        %swap3A_379 = vector.shape_cast %add3A_375 : vector<16xi32> to vector<16xi32>
        tpu.vector_store %arg8[%swap3A_376], %swap3A_379 {strides = array<i32>} : memref<256xi32, #tpu.memory_space<vmem>>, vector<16xi32>,
        %add3A_380 = arith.constant 16384 : i32
        %add3A_381 = vector.broadcast %add3A_380 : i32 to vector<16xi32>
        %add3A_382 = arith.addi %add3A_343, %add3A_381 : vector<16xi32>
        %swap3A_383 = arith.constant 224 : index
        %swap3A_384 = tpu.vector_load %arg8[%swap3A_383] {strides = array<i32>} : memref<256xi32, #tpu.memory_space<vmem>>, vector<16xi32>,
        %swap3A_385 = vector.shape_cast %swap3A_384 : vector<16xi32> to vector<16xi32>
        %swap3A_386 = vector.shape_cast %add3A_382 : vector<16xi32> to vector<16xi32>
        tpu.vector_store %arg8[%swap3A_383], %swap3A_386 {strides = array<i32>} : memref<256xi32, #tpu.memory_space<vmem>>, vector<16xi32>,
        %add3A_387 = arith.constant 16 : i32
        %add3A_388 = arith.addi %mul3A_29, %add3A_387 : i32
        %get3A_389 = arith.index_cast %add3A_388 : i32 to index
        %get3A_390 = tpu.vector_load %arg6[%get3A_389] {strides = array<i32>} : memref<6400xf32, #tpu.memory_space<vmem>>, vector<16xf32>,
        %get3A_391 = vector.shape_cast %get3A_390 : vector<16xf32> to vector<16xf32>
        %add3A_392 = arith.constant 16 : i32
        %add3A_393 = arith.addi %mul3A_29, %add3A_392 : i32
        %get3A_394 = arith.index_cast %add3A_393 : i32 to index
        %get3A_395 = tpu.vector_load %arg7[%get3A_394] {strides = array<i32>} : memref<6400xf32, #tpu.memory_space<vmem>>, vector<16xf32>,
        %get3A_396 = vector.shape_cast %get3A_395 : vector<16xf32> to vector<16xf32>
        %convert_element_type3A_397 = arith.fptosi %get3A_391 : vector<16xf32> to vector<16xi32>
        %convert_element_type3A_398 = arith.sitofp %convert_element_type3A_397 : vector<16xi32> to vector<16xf32>
        %gt3A_399 = arith.cmpf ogt, %convert_element_type3A_398, %get3A_391 : vector<16xf32>
        %sub3A_400 = arith.constant 1 : i32
        %sub3A_401 = vector.broadcast %sub3A_400 : i32 to vector<16xi32>
        %sub3A_402 = arith.subi %convert_element_type3A_397, %sub3A_401 : vector<16xi32>
        %select_n3A_403 = arith.select %gt3A_399, %sub3A_402, %convert_element_type3A_397 : vector<16xi1>, vector<16xi32>
        %convert_element_type3A_404 = arith.fptosi %get3A_396 : vector<16xf32> to vector<16xi32>
        %convert_element_type3A_405 = arith.sitofp %convert_element_type3A_404 : vector<16xi32> to vector<16xf32>
        %gt3A_406 = arith.cmpf ogt, %convert_element_type3A_405, %get3A_396 : vector<16xf32>
        %sub3A_407 = arith.constant 1 : i32
        %sub3A_408 = vector.broadcast %sub3A_407 : i32 to vector<16xi32>
        %sub3A_409 = arith.subi %convert_element_type3A_404, %sub3A_408 : vector<16xi32>
        %select_n3A_410 = arith.select %gt3A_406, %sub3A_409, %convert_element_type3A_404 : vector<16xi1>, vector<16xi32>
        %jit3A_411 = arith.constant 0 : i32
        %jit3A_412 = arith.constant 127 : i32
        %max3A_413 = vector.broadcast %jit3A_411 : i32 to vector<16xi32>
        %max3A_414 = arith.maxsi %max3A_413, %select_n3A_403 : vector<16xi32>
        %min3A_415 = vector.broadcast %jit3A_412 : i32 to vector<16xi32>
        %min3A_416 = arith.minsi %min3A_415, %max3A_414 : vector<16xi32>
        %add3A_417 = arith.constant 1 : i32
        %add3A_418 = vector.broadcast %add3A_417 : i32 to vector<16xi32>
        %add3A_419 = arith.addi %select_n3A_403, %add3A_418 : vector<16xi32>
        %jit3A_420 = arith.constant 0 : i32
        %jit3A_421 = arith.constant 127 : i32
        %max3A_422 = vector.broadcast %jit3A_420 : i32 to vector<16xi32>
        %max3A_423 = arith.maxsi %max3A_422, %add3A_419 : vector<16xi32>
        %min3A_424 = vector.broadcast %jit3A_421 : i32 to vector<16xi32>
        %min3A_425 = arith.minsi %min3A_424, %max3A_423 : vector<16xi32>
        %jit3A_426 = arith.constant 0 : i32
        %jit3A_427 = arith.constant 127 : i32
        %max3A_428 = vector.broadcast %jit3A_426 : i32 to vector<16xi32>
        %max3A_429 = arith.maxsi %max3A_428, %select_n3A_410 : vector<16xi32>
        %min3A_430 = vector.broadcast %jit3A_427 : i32 to vector<16xi32>
        %min3A_431 = arith.minsi %min3A_430, %max3A_429 : vector<16xi32>
        %add3A_432 = arith.constant 1 : i32
        %add3A_433 = vector.broadcast %add3A_432 : i32 to vector<16xi32>
        %add3A_434 = arith.addi %select_n3A_410, %add3A_433 : vector<16xi32>
        %jit3A_435 = arith.constant 0 : i32
        %jit3A_436 = arith.constant 127 : i32
        %max3A_437 = vector.broadcast %jit3A_435 : i32 to vector<16xi32>
        %max3A_438 = arith.maxsi %max3A_437, %add3A_434 : vector<16xi32>
        %min3A_439 = vector.broadcast %jit3A_436 : i32 to vector<16xi32>
        %min3A_440 = arith.minsi %min3A_439, %max3A_438 : vector<16xi32>
        %mul3A_441 = arith.constant 128 : i32
        %mul3A_442 = vector.broadcast %mul3A_441 : i32 to vector<16xi32>
        %mul3A_443 = arith.muli %min3A_431, %mul3A_442 : vector<16xi32>
        %add3A_444 = arith.addi %mul3A_443, %min3A_416 : vector<16xi32>
        %mul3A_445 = arith.constant 128 : i32
        %mul3A_446 = vector.broadcast %mul3A_445 : i32 to vector<16xi32>
        %mul3A_447 = arith.muli %min3A_440, %mul3A_446 : vector<16xi32>
        %add3A_448 = arith.addi %mul3A_447, %min3A_416 : vector<16xi32>
        %mul3A_449 = arith.constant 128 : i32
        %mul3A_450 = vector.broadcast %mul3A_449 : i32 to vector<16xi32>
        %mul3A_451 = arith.muli %min3A_431, %mul3A_450 : vector<16xi32>
        %add3A_452 = arith.addi %mul3A_451, %min3A_425 : vector<16xi32>
        %mul3A_453 = arith.constant 128 : i32
        %mul3A_454 = vector.broadcast %mul3A_453 : i32 to vector<16xi32>
        %mul3A_455 = arith.muli %min3A_440, %mul3A_454 : vector<16xi32>
        %add3A_456 = arith.addi %mul3A_455, %min3A_425 : vector<16xi32>
        %swap3A_457 = arith.constant 16 : index
        %swap3A_458 = tpu.vector_load %arg8[%swap3A_457] {strides = array<i32>} : memref<256xi32, #tpu.memory_space<vmem>>, vector<16xi32>,
        %swap3A_459 = vector.shape_cast %swap3A_458 : vector<16xi32> to vector<16xi32>
        %swap3A_460 = vector.shape_cast %add3A_444 : vector<16xi32> to vector<16xi32>
        tpu.vector_store %arg8[%swap3A_457], %swap3A_460 {strides = array<i32>} : memref<256xi32, #tpu.memory_space<vmem>>, vector<16xi32>,
        %swap3A_461 = arith.constant 48 : index
        %swap3A_462 = tpu.vector_load %arg8[%swap3A_461] {strides = array<i32>} : memref<256xi32, #tpu.memory_space<vmem>>, vector<16xi32>,
        %swap3A_463 = vector.shape_cast %swap3A_462 : vector<16xi32> to vector<16xi32>
        %swap3A_464 = vector.shape_cast %add3A_448 : vector<16xi32> to vector<16xi32>
        tpu.vector_store %arg8[%swap3A_461], %swap3A_464 {strides = array<i32>} : memref<256xi32, #tpu.memory_space<vmem>>, vector<16xi32>,
        %swap3A_465 = arith.constant 80 : index
        %swap3A_466 = tpu.vector_load %arg8[%swap3A_465] {strides = array<i32>} : memref<256xi32, #tpu.memory_space<vmem>>, vector<16xi32>,
        %swap3A_467 = vector.shape_cast %swap3A_466 : vector<16xi32> to vector<16xi32>
        %swap3A_468 = vector.shape_cast %add3A_452 : vector<16xi32> to vector<16xi32>
        tpu.vector_store %arg8[%swap3A_465], %swap3A_468 {strides = array<i32>} : memref<256xi32, #tpu.memory_space<vmem>>, vector<16xi32>,
        %swap3A_469 = arith.constant 112 : index
        %swap3A_470 = tpu.vector_load %arg8[%swap3A_469] {strides = array<i32>} : memref<256xi32, #tpu.memory_space<vmem>>, vector<16xi32>,
        %swap3A_471 = vector.shape_cast %swap3A_470 : vector<16xi32> to vector<16xi32>
        %swap3A_472 = vector.shape_cast %add3A_456 : vector<16xi32> to vector<16xi32>
        tpu.vector_store %arg8[%swap3A_469], %swap3A_472 {strides = array<i32>} : memref<256xi32, #tpu.memory_space<vmem>>, vector<16xi32>,
        %add3A_473 = arith.constant 16384 : i32
        %add3A_474 = vector.broadcast %add3A_473 : i32 to vector<16xi32>
        %add3A_475 = arith.addi %add3A_444, %add3A_474 : vector<16xi32>
        %swap3A_476 = arith.constant 144 : index
        %swap3A_477 = tpu.vector_load %arg8[%swap3A_476] {strides = array<i32>} : memref<256xi32, #tpu.memory_space<vmem>>, vector<16xi32>,
        %swap3A_478 = vector.shape_cast %swap3A_477 : vector<16xi32> to vector<16xi32>
        %swap3A_479 = vector.shape_cast %add3A_475 : vector<16xi32> to vector<16xi32>
        tpu.vector_store %arg8[%swap3A_476], %swap3A_479 {strides = array<i32>} : memref<256xi32, #tpu.memory_space<vmem>>, vector<16xi32>,
        %add3A_480 = arith.constant 16384 : i32
        %add3A_481 = vector.broadcast %add3A_480 : i32 to vector<16xi32>
        %add3A_482 = arith.addi %add3A_448, %add3A_481 : vector<16xi32>
        %swap3A_483 = arith.constant 176 : index
        %swap3A_484 = tpu.vector_load %arg8[%swap3A_483] {strides = array<i32>} : memref<256xi32, #tpu.memory_space<vmem>>, vector<16xi32>,
        %swap3A_485 = vector.shape_cast %swap3A_484 : vector<16xi32> to vector<16xi32>
        %swap3A_486 = vector.shape_cast %add3A_482 : vector<16xi32> to vector<16xi32>
        tpu.vector_store %arg8[%swap3A_483], %swap3A_486 {strides = array<i32>} : memref<256xi32, #tpu.memory_space<vmem>>, vector<16xi32>,
        %add3A_487 = arith.constant 16384 : i32
        %add3A_488 = vector.broadcast %add3A_487 : i32 to vector<16xi32>
        %add3A_489 = arith.addi %add3A_452, %add3A_488 : vector<16xi32>
        %swap3A_490 = arith.constant 208 : index
        %swap3A_491 = tpu.vector_load %arg8[%swap3A_490] {strides = array<i32>} : memref<256xi32, #tpu.memory_space<vmem>>, vector<16xi32>,
        %swap3A_492 = vector.shape_cast %swap3A_491 : vector<16xi32> to vector<16xi32>
        %swap3A_493 = vector.shape_cast %add3A_489 : vector<16xi32> to vector<16xi32>
        tpu.vector_store %arg8[%swap3A_490], %swap3A_493 {strides = array<i32>} : memref<256xi32, #tpu.memory_space<vmem>>, vector<16xi32>,
        %add3A_494 = arith.constant 16384 : i32
        %add3A_495 = vector.broadcast %add3A_494 : i32 to vector<16xi32>
        %add3A_496 = arith.addi %add3A_456, %add3A_495 : vector<16xi32>
        %swap3A_497 = arith.constant 240 : index
        %swap3A_498 = tpu.vector_load %arg8[%swap3A_497] {strides = array<i32>} : memref<256xi32, #tpu.memory_space<vmem>>, vector<16xi32>,
        %swap3A_499 = vector.shape_cast %swap3A_498 : vector<16xi32> to vector<16xi32>
        %swap3A_500 = vector.shape_cast %add3A_496 : vector<16xi32> to vector<16xi32>
        tpu.vector_store %arg8[%swap3A_497], %swap3A_500 {strides = array<i32>} : memref<256xi32, #tpu.memory_space<vmem>>, vector<16xi32>,
        %dma_start3A_501 = arith.constant 0 : i32
        %dma_start3A_502 = arith.constant 0 : i32
        %dma_start3A_503 = tpu.memref_slice %arg4[%dma_start3A_501, %dma_start3A_502] : memref<32768x256xf32, #tpu.memory_space<hbm>> -> memref<32768x256xf32, #tpu.memory_space<hbm>>
        tpu.enqueue_indirect_dma source(%dma_start3A_503 : memref<32768x256xf32, #tpu.memory_space<hbm>>) target(%arg9 : memref<256x256xf32, #tpu.memory_space<vmem>>) offsets(%arg8 : memref<256xi32, #tpu.memory_space<vmem>>) semaphore(%arg10 : memref<!tpu.dma_semaphore, #tpu.memory_space<semaphore_mem>>)
        %dma_wait3A = arith.constant 0 : i32
        %dma_wait3A_504 = arith.constant 0 : i32
        %dma_wait3A_505 = tpu.memref_slice %arg4[%dma_wait3A, %dma_wait3A_504] : memref<32768x256xf32, #tpu.memory_space<hbm>> -> memref<32768x256xf32, #tpu.memory_space<hbm>>
        tpu.wait_indirect_dma semaphore(%arg10 : memref<!tpu.dma_semaphore, #tpu.memory_space<semaphore_mem>>) src(%dma_wait3A_505 : memref<32768x256xf32, #tpu.memory_space<hbm>>) dst(%arg9 : memref<256x256xf32, #tpu.memory_space<vmem>>)
        %cond3A_506 = arith.constant 0 : i32
        scf.yield %cond3A_506 : i32
      }
      %add3A_145 = arith.constant 0 : i32
      %add3A_146 = arith.addi %add3A_145, %mul3A_2 : i32
      %add3A_147 = arith.addi %add3A_146, %mul3A_29 : i32
      %dma_start3A = arith.constant 0 : i32
      %dma_start3A_148 = arith.constant 0 : i32
      %dma_start3A_149 = tpu.memref_slice %arg9[%dma_start3A, %dma_start3A_148] : memref<256x256xf32, #tpu.memory_space<vmem>> -> memref<32x256xf32, #tpu.memory_space<vmem>>
      %dma_start3A_150 = arith.constant 0 : i32
      %dma_start3A_151 = tpu.memref_slice %arg5[%add3A_147, %dma_start3A_150] : memref<1600000x256xf32, #tpu.memory_space<hbm>> -> memref<32x256xf32, #tpu.memory_space<hbm>>
      %dma_start3A_152 = arith.constant 0 : i32
      %dma_start3A_153 = tpu.memref_slice %arg5[%add3A_147, %dma_start3A_152] : memref<1600000x256xf32, #tpu.memory_space<hbm>> -> memref<32x256xf32, #tpu.memory_space<hbm>>
      %dma_start3A_154 = arith.constant 0 : i32
      %dma_start3A_155 = arith.constant 0 : i32
      %dma_start3A_156 = tpu.memref_slice %arg9[%dma_start3A_154, %dma_start3A_155] : memref<256x256xf32, #tpu.memory_space<vmem>> -> memref<32x256xf32, #tpu.memory_space<vmem>>
      tpu.enqueue_dma source(%dma_start3A_156 : memref<32x256xf32, #tpu.memory_space<vmem>>) target(%dma_start3A_153 : memref<32x256xf32, #tpu.memory_space<hbm>>) target_semaphore(%arg11 : memref<!tpu.dma_semaphore, #tpu.memory_space<semaphore_mem>>)
      %add3A_157 = arith.constant 200000 : i32
      %add3A_158 = arith.addi %add3A_157, %mul3A_2 : i32
      %add3A_159 = arith.addi %add3A_158, %mul3A_29 : i32
      %dma_start3A_160 = arith.constant 32 : i32
      %dma_start3A_161 = arith.constant 0 : i32
      %dma_start3A_162 = tpu.memref_slice %arg9[%dma_start3A_160, %dma_start3A_161] : memref<256x256xf32, #tpu.memory_space<vmem>> -> memref<32x256xf32, #tpu.memory_space<vmem>>
      %dma_start3A_163 = arith.constant 0 : i32
      %dma_start3A_164 = tpu.memref_slice %arg5[%add3A_159, %dma_start3A_163] : memref<1600000x256xf32, #tpu.memory_space<hbm>> -> memref<32x256xf32, #tpu.memory_space<hbm>>
      %dma_start3A_165 = arith.constant 0 : i32
      %dma_start3A_166 = tpu.memref_slice %arg5[%add3A_159, %dma_start3A_165] : memref<1600000x256xf32, #tpu.memory_space<hbm>> -> memref<32x256xf32, #tpu.memory_space<hbm>>
      %dma_start3A_167 = arith.constant 32 : i32
      %dma_start3A_168 = arith.constant 0 : i32
      %dma_start3A_169 = tpu.memref_slice %arg9[%dma_start3A_167, %dma_start3A_168] : memref<256x256xf32, #tpu.memory_space<vmem>> -> memref<32x256xf32, #tpu.memory_space<vmem>>
      tpu.enqueue_dma source(%dma_start3A_169 : memref<32x256xf32, #tpu.memory_space<vmem>>) target(%dma_start3A_166 : memref<32x256xf32, #tpu.memory_space<hbm>>) target_semaphore(%arg11 : memref<!tpu.dma_semaphore, #tpu.memory_space<semaphore_mem>>)
      %add3A_170 = arith.constant 400000 : i32
      %add3A_171 = arith.addi %add3A_170, %mul3A_2 : i32
      %add3A_172 = arith.addi %add3A_171, %mul3A_29 : i32
      %dma_start3A_173 = arith.constant 64 : i32
      %dma_start3A_174 = arith.constant 0 : i32
      %dma_start3A_175 = tpu.memref_slice %arg9[%dma_start3A_173, %dma_start3A_174] : memref<256x256xf32, #tpu.memory_space<vmem>> -> memref<32x256xf32, #tpu.memory_space<vmem>>
      %dma_start3A_176 = arith.constant 0 : i32
      %dma_start3A_177 = tpu.memref_slice %arg5[%add3A_172, %dma_start3A_176] : memref<1600000x256xf32, #tpu.memory_space<hbm>> -> memref<32x256xf32, #tpu.memory_space<hbm>>
      %dma_start3A_178 = arith.constant 0 : i32
      %dma_start3A_179 = tpu.memref_slice %arg5[%add3A_172, %dma_start3A_178] : memref<1600000x256xf32, #tpu.memory_space<hbm>> -> memref<32x256xf32, #tpu.memory_space<hbm>>
      %dma_start3A_180 = arith.constant 64 : i32
      %dma_start3A_181 = arith.constant 0 : i32
      %dma_start3A_182 = tpu.memref_slice %arg9[%dma_start3A_180, %dma_start3A_181] : memref<256x256xf32, #tpu.memory_space<vmem>> -> memref<32x256xf32, #tpu.memory_space<vmem>>
      tpu.enqueue_dma source(%dma_start3A_182 : memref<32x256xf32, #tpu.memory_space<vmem>>) target(%dma_start3A_179 : memref<32x256xf32, #tpu.memory_space<hbm>>) target_semaphore(%arg11 : memref<!tpu.dma_semaphore, #tpu.memory_space<semaphore_mem>>)
      %add3A_183 = arith.constant 600000 : i32
      %add3A_184 = arith.addi %add3A_183, %mul3A_2 : i32
      %add3A_185 = arith.addi %add3A_184, %mul3A_29 : i32
      %dma_start3A_186 = arith.constant 96 : i32
      %dma_start3A_187 = arith.constant 0 : i32
      %dma_start3A_188 = tpu.memref_slice %arg9[%dma_start3A_186, %dma_start3A_187] : memref<256x256xf32, #tpu.memory_space<vmem>> -> memref<32x256xf32, #tpu.memory_space<vmem>>
      %dma_start3A_189 = arith.constant 0 : i32
      %dma_start3A_190 = tpu.memref_slice %arg5[%add3A_185, %dma_start3A_189] : memref<1600000x256xf32, #tpu.memory_space<hbm>> -> memref<32x256xf32, #tpu.memory_space<hbm>>
      %dma_start3A_191 = arith.constant 0 : i32
      %dma_start3A_192 = tpu.memref_slice %arg5[%add3A_185, %dma_start3A_191] : memref<1600000x256xf32, #tpu.memory_space<hbm>> -> memref<32x256xf32, #tpu.memory_space<hbm>>
      %dma_start3A_193 = arith.constant 96 : i32
      %dma_start3A_194 = arith.constant 0 : i32
      %dma_start3A_195 = tpu.memref_slice %arg9[%dma_start3A_193, %dma_start3A_194] : memref<256x256xf32, #tpu.memory_space<vmem>> -> memref<32x256xf32, #tpu.memory_space<vmem>>
      tpu.enqueue_dma source(%dma_start3A_195 : memref<32x256xf32, #tpu.memory_space<vmem>>) target(%dma_start3A_192 : memref<32x256xf32, #tpu.memory_space<hbm>>) target_semaphore(%arg11 : memref<!tpu.dma_semaphore, #tpu.memory_space<semaphore_mem>>)
      %add3A_196 = arith.constant 800000 : i32
      %add3A_197 = arith.addi %add3A_196, %mul3A_2 : i32
      %add3A_198 = arith.addi %add3A_197, %mul3A_29 : i32
      %dma_start3A_199 = arith.constant 128 : i32
      %dma_start3A_200 = arith.constant 0 : i32
      %dma_start3A_201 = tpu.memref_slice %arg9[%dma_start3A_199, %dma_start3A_200] : memref<256x256xf32, #tpu.memory_space<vmem>> -> memref<32x256xf32, #tpu.memory_space<vmem>>
      %dma_start3A_202 = arith.constant 0 : i32
      %dma_start3A_203 = tpu.memref_slice %arg5[%add3A_198, %dma_start3A_202] : memref<1600000x256xf32, #tpu.memory_space<hbm>> -> memref<32x256xf32, #tpu.memory_space<hbm>>
      %dma_start3A_204 = arith.constant 0 : i32
      %dma_start3A_205 = tpu.memref_slice %arg5[%add3A_198, %dma_start3A_204] : memref<1600000x256xf32, #tpu.memory_space<hbm>> -> memref<32x256xf32, #tpu.memory_space<hbm>>
      %dma_start3A_206 = arith.constant 128 : i32
      %dma_start3A_207 = arith.constant 0 : i32
      %dma_start3A_208 = tpu.memref_slice %arg9[%dma_start3A_206, %dma_start3A_207] : memref<256x256xf32, #tpu.memory_space<vmem>> -> memref<32x256xf32, #tpu.memory_space<vmem>>
      tpu.enqueue_dma source(%dma_start3A_208 : memref<32x256xf32, #tpu.memory_space<vmem>>) target(%dma_start3A_205 : memref<32x256xf32, #tpu.memory_space<hbm>>) target_semaphore(%arg11 : memref<!tpu.dma_semaphore, #tpu.memory_space<semaphore_mem>>)
      %add3A_209 = arith.constant 1000000 : i32
      %add3A_210 = arith.addi %add3A_209, %mul3A_2 : i32
      %add3A_211 = arith.addi %add3A_210, %mul3A_29 : i32
      %dma_start3A_212 = arith.constant 160 : i32
      %dma_start3A_213 = arith.constant 0 : i32
      %dma_start3A_214 = tpu.memref_slice %arg9[%dma_start3A_212, %dma_start3A_213] : memref<256x256xf32, #tpu.memory_space<vmem>> -> memref<32x256xf32, #tpu.memory_space<vmem>>
      %dma_start3A_215 = arith.constant 0 : i32
      %dma_start3A_216 = tpu.memref_slice %arg5[%add3A_211, %dma_start3A_215] : memref<1600000x256xf32, #tpu.memory_space<hbm>> -> memref<32x256xf32, #tpu.memory_space<hbm>>
      %dma_start3A_217 = arith.constant 0 : i32
      %dma_start3A_218 = tpu.memref_slice %arg5[%add3A_211, %dma_start3A_217] : memref<1600000x256xf32, #tpu.memory_space<hbm>> -> memref<32x256xf32, #tpu.memory_space<hbm>>
      %dma_start3A_219 = arith.constant 160 : i32
      %dma_start3A_220 = arith.constant 0 : i32
      %dma_start3A_221 = tpu.memref_slice %arg9[%dma_start3A_219, %dma_start3A_220] : memref<256x256xf32, #tpu.memory_space<vmem>> -> memref<32x256xf32, #tpu.memory_space<vmem>>
      tpu.enqueue_dma source(%dma_start3A_221 : memref<32x256xf32, #tpu.memory_space<vmem>>) target(%dma_start3A_218 : memref<32x256xf32, #tpu.memory_space<hbm>>) target_semaphore(%arg11 : memref<!tpu.dma_semaphore, #tpu.memory_space<semaphore_mem>>)
      %add3A_222 = arith.constant 1200000 : i32
      %add3A_223 = arith.addi %add3A_222, %mul3A_2 : i32
      %add3A_224 = arith.addi %add3A_223, %mul3A_29 : i32
      %dma_start3A_225 = arith.constant 192 : i32
      %dma_start3A_226 = arith.constant 0 : i32
      %dma_start3A_227 = tpu.memref_slice %arg9[%dma_start3A_225, %dma_start3A_226] : memref<256x256xf32, #tpu.memory_space<vmem>> -> memref<32x256xf32, #tpu.memory_space<vmem>>
      %dma_start3A_228 = arith.constant 0 : i32
      %dma_start3A_229 = tpu.memref_slice %arg5[%add3A_224, %dma_start3A_228] : memref<1600000x256xf32, #tpu.memory_space<hbm>> -> memref<32x256xf32, #tpu.memory_space<hbm>>
      %dma_start3A_230 = arith.constant 0 : i32
      %dma_start3A_231 = tpu.memref_slice %arg5[%add3A_224, %dma_start3A_230] : memref<1600000x256xf32, #tpu.memory_space<hbm>> -> memref<32x256xf32, #tpu.memory_space<hbm>>
      %dma_start3A_232 = arith.constant 192 : i32
      %dma_start3A_233 = arith.constant 0 : i32
      %dma_start3A_234 = tpu.memref_slice %arg9[%dma_start3A_232, %dma_start3A_233] : memref<256x256xf32, #tpu.memory_space<vmem>> -> memref<32x256xf32, #tpu.memory_space<vmem>>
      tpu.enqueue_dma source(%dma_start3A_234 : memref<32x256xf32, #tpu.memory_space<vmem>>) target(%dma_start3A_231 : memref<32x256xf32, #tpu.memory_space<hbm>>) target_semaphore(%arg11 : memref<!tpu.dma_semaphore, #tpu.memory_space<semaphore_mem>>)
      %add3A_235 = arith.constant 1400000 : i32
      %add3A_236 = arith.addi %add3A_235, %mul3A_2 : i32
      %add3A_237 = arith.addi %add3A_236, %mul3A_29 : i32
      %dma_start3A_238 = arith.constant 224 : i32
      %dma_start3A_239 = arith.constant 0 : i32
      %dma_start3A_240 = tpu.memref_slice %arg9[%dma_start3A_238, %dma_start3A_239] : memref<256x256xf32, #tpu.memory_space<vmem>> -> memref<32x256xf32, #tpu.memory_space<vmem>>
      %dma_start3A_241 = arith.constant 0 : i32
      %dma_start3A_242 = tpu.memref_slice %arg5[%add3A_237, %dma_start3A_241] : memref<1600000x256xf32, #tpu.memory_space<hbm>> -> memref<32x256xf32, #tpu.memory_space<hbm>>
      %dma_start3A_243 = arith.constant 0 : i32
      %dma_start3A_244 = tpu.memref_slice %arg5[%add3A_237, %dma_start3A_243] : memref<1600000x256xf32, #tpu.memory_space<hbm>> -> memref<32x256xf32, #tpu.memory_space<hbm>>
      %dma_start3A_245 = arith.constant 224 : i32
      %dma_start3A_246 = arith.constant 0 : i32
      %dma_start3A_247 = tpu.memref_slice %arg9[%dma_start3A_245, %dma_start3A_246] : memref<256x256xf32, #tpu.memory_space<vmem>> -> memref<32x256xf32, #tpu.memory_space<vmem>>
      tpu.enqueue_dma source(%dma_start3A_247 : memref<32x256xf32, #tpu.memory_space<vmem>>) target(%dma_start3A_244 : memref<32x256xf32, #tpu.memory_space<hbm>>) target_semaphore(%arg11 : memref<!tpu.dma_semaphore, #tpu.memory_space<semaphore_mem>>)
      %add3A_248 = arith.constant 8 : i32
      %add3A_249 = arith.addi %cond3A_144, %add3A_248 : i32
      %sub3A_250 = arith.constant 24 : i32
      %sub3A_251 = arith.subi %add3A_249, %sub3A_250 : i32
      %max3A_252 = arith.constant 0 : i32
      %max3A_253 = arith.maxsi %sub3A_251, %max3A_252 : i32
      %while3A_254 = arith.constant 0 : i32
      %while3A_255 = arith.constant 0 : i32
      %while3A_256 = arith.subi %max3A_253, %while3A_255 : i32
      %while3A_257 = arith.addi %while3A_255, %while3A_256 : i32
      %while3A_258 = arith.constant 1 : i32
      %while3A_259 = arith.divsi %while3A_256, %while3A_258 : i32
      %while3A_260 = arith.muli %while3A_259, %while3A_258 : i32
      %while3A_261 = arith.addi %while3A_255, %while3A_260 : i32
      %while3A_262 = arith.constant 1 : i32
      scf.for %while3A_265 = %while3A_255 to %while3A_261 step %while3A_262  : i32 {
        %dma_wait3A = arith.constant 0 : i32
        %dma_wait3A_266 = arith.constant 0 : i32
        %dma_wait3A_267 = tpu.memref_slice %arg9[%dma_wait3A, %dma_wait3A_266] : memref<256x256xf32, #tpu.memory_space<vmem>> -> memref<32x256xf32, #tpu.memory_space<vmem>>
        %dma_wait3A_268 = arith.constant 0 : i32
        %dma_wait3A_269 = arith.constant 0 : i32
        %dma_wait3A_270 = tpu.memref_slice %arg5[%dma_wait3A_268, %dma_wait3A_269] : memref<1600000x256xf32, #tpu.memory_space<hbm>> -> memref<32x256xf32, #tpu.memory_space<hbm>>
        %dma_wait3A_271 = arith.constant 0 : i32
        %dma_wait3A_272 = arith.constant 0 : i32
        %dma_wait3A_273 = tpu.memref_slice %arg9[%dma_wait3A_271, %dma_wait3A_272] : memref<256x256xf32, #tpu.memory_space<vmem>> -> memref<32x256xf32, #tpu.memory_space<vmem>>
        %dma_wait3A_274 = arith.constant 0 : i32
        %dma_wait3A_275 = arith.constant 0 : i32
        %dma_wait3A_276 = tpu.memref_slice %arg5[%dma_wait3A_274, %dma_wait3A_275] : memref<1600000x256xf32, #tpu.memory_space<hbm>> -> memref<32x256xf32, #tpu.memory_space<hbm>>
        tpu.wait_dma2 semaphore(%arg11 : memref<!tpu.dma_semaphore, #tpu.memory_space<semaphore_mem>>) src(%dma_wait3A_276 : memref<32x256xf32, #tpu.memory_space<hbm>>) dst(%dma_wait3A_273 : memref<32x256xf32, #tpu.memory_space<vmem>>)
      }
      %while3A_263 = arith.constant 1 : i32
      scf.for %while3A_265 = %while3A_261 to %while3A_257 step %while3A_263  : i32 {
        %dma_wait3A = arith.constant 0 : i32
        %dma_wait3A_266 = arith.constant 0 : i32
        %dma_wait3A_267 = tpu.memref_slice %arg9[%dma_wait3A, %dma_wait3A_266] : memref<256x256xf32, #tpu.memory_space<vmem>> -> memref<32x256xf32, #tpu.memory_space<vmem>>
        %dma_wait3A_268 = arith.constant 0 : i32
        %dma_wait3A_269 = arith.constant 0 : i32
        %dma_wait3A_270 = tpu.memref_slice %arg5[%dma_wait3A_268, %dma_wait3A_269] : memref<1600000x256xf32, #tpu.memory_space<hbm>> -> memref<32x256xf32, #tpu.memory_space<hbm>>
        %dma_wait3A_271 = arith.constant 0 : i32
        %dma_wait3A_272 = arith.constant 0 : i32
        %dma_wait3A_273 = tpu.memref_slice %arg9[%dma_wait3A_271, %dma_wait3A_272] : memref<256x256xf32, #tpu.memory_space<vmem>> -> memref<32x256xf32, #tpu.memory_space<vmem>>
        %dma_wait3A_274 = arith.constant 0 : i32
        %dma_wait3A_275 = arith.constant 0 : i32
        %dma_wait3A_276 = tpu.memref_slice %arg5[%dma_wait3A_274, %dma_wait3A_275] : memref<1600000x256xf32, #tpu.memory_space<hbm>> -> memref<32x256xf32, #tpu.memory_space<hbm>>
        tpu.wait_dma2 semaphore(%arg11 : memref<!tpu.dma_semaphore, #tpu.memory_space<semaphore_mem>>) src(%dma_wait3A_276 : memref<32x256xf32, #tpu.memory_space<hbm>>) dst(%dma_wait3A_273 : memref<32x256xf32, #tpu.memory_space<vmem>>)
      }
      %sub3A_264 = arith.subi %add3A_249, %max3A_253 : i32
      scf.yield %sub3A_264 : i32
    }
    %while3A_16 = arith.constant 0 : i32
    %while3A_17 = arith.constant 0 : i32
    %while3A_18 = arith.subi %while3A_15, %while3A_17 : i32
    %while3A_19 = arith.addi %while3A_17, %while3A_18 : i32
    %while3A_20 = arith.constant 1 : i32
    %while3A_21 = arith.divsi %while3A_18, %while3A_20 : i32
    %while3A_22 = arith.muli %while3A_21, %while3A_20 : i32
    %while3A_23 = arith.addi %while3A_17, %while3A_22 : i32
    %while3A_24 = arith.constant 1 : i32
    scf.for %while3A_26 = %while3A_17 to %while3A_23 step %while3A_24  : i32 {
      %dma_wait3A = arith.constant 0 : i32
      %dma_wait3A_27 = arith.constant 0 : i32
      %dma_wait3A_28 = tpu.memref_slice %arg9[%dma_wait3A, %dma_wait3A_27] : memref<256x256xf32, #tpu.memory_space<vmem>> -> memref<32x256xf32, #tpu.memory_space<vmem>>
      %dma_wait3A_29 = arith.constant 0 : i32
      %dma_wait3A_30 = arith.constant 0 : i32
      %dma_wait3A_31 = tpu.memref_slice %arg5[%dma_wait3A_29, %dma_wait3A_30] : memref<1600000x256xf32, #tpu.memory_space<hbm>> -> memref<32x256xf32, #tpu.memory_space<hbm>>
      %dma_wait3A_32 = arith.constant 0 : i32
      %dma_wait3A_33 = arith.constant 0 : i32
      %dma_wait3A_34 = tpu.memref_slice %arg9[%dma_wait3A_32, %dma_wait3A_33] : memref<256x256xf32, #tpu.memory_space<vmem>> -> memref<32x256xf32, #tpu.memory_space<vmem>>
      %dma_wait3A_35 = arith.constant 0 : i32
      %dma_wait3A_36 = arith.constant 0 : i32
      %dma_wait3A_37 = tpu.memref_slice %arg5[%dma_wait3A_35, %dma_wait3A_36] : memref<1600000x256xf32, #tpu.memory_space<hbm>> -> memref<32x256xf32, #tpu.memory_space<hbm>>
      tpu.wait_dma2 semaphore(%arg11 : memref<!tpu.dma_semaphore, #tpu.memory_space<semaphore_mem>>) src(%dma_wait3A_37 : memref<32x256xf32, #tpu.memory_space<hbm>>) dst(%dma_wait3A_34 : memref<32x256xf32, #tpu.memory_space<vmem>>)
    }
    %while3A_25 = arith.constant 1 : i32
    scf.for %while3A_26 = %while3A_23 to %while3A_19 step %while3A_25  : i32 {
      %dma_wait3A = arith.constant 0 : i32
      %dma_wait3A_27 = arith.constant 0 : i32
      %dma_wait3A_28 = tpu.memref_slice %arg9[%dma_wait3A, %dma_wait3A_27] : memref<256x256xf32, #tpu.memory_space<vmem>> -> memref<32x256xf32, #tpu.memory_space<vmem>>
      %dma_wait3A_29 = arith.constant 0 : i32
      %dma_wait3A_30 = arith.constant 0 : i32
      %dma_wait3A_31 = tpu.memref_slice %arg5[%dma_wait3A_29, %dma_wait3A_30] : memref<1600000x256xf32, #tpu.memory_space<hbm>> -> memref<32x256xf32, #tpu.memory_space<hbm>>
      %dma_wait3A_32 = arith.constant 0 : i32
      %dma_wait3A_33 = arith.constant 0 : i32
      %dma_wait3A_34 = tpu.memref_slice %arg9[%dma_wait3A_32, %dma_wait3A_33] : memref<256x256xf32, #tpu.memory_space<vmem>> -> memref<32x256xf32, #tpu.memory_space<vmem>>
      %dma_wait3A_35 = arith.constant 0 : i32
      %dma_wait3A_36 = arith.constant 0 : i32
      %dma_wait3A_37 = tpu.memref_slice %arg5[%dma_wait3A_35, %dma_wait3A_36] : memref<1600000x256xf32, #tpu.memory_space<hbm>> -> memref<32x256xf32, #tpu.memory_space<hbm>>
      tpu.wait_dma2 semaphore(%arg11 : memref<!tpu.dma_semaphore, #tpu.memory_space<semaphore_mem>>) src(%dma_wait3A_37 : memref<32x256xf32, #tpu.memory_space<hbm>>) dst(%dma_wait3A_34 : memref<32x256xf32, #tpu.memory_space<vmem>>)
    }
    return
  }
}

</mosaic_0001>

<sc_bundles>
// kernel: kernel.3.cloned.1.call-start
scs
__scs_entry_jumppad:
0x0: {  	(pc) =	sbr.rel $0x88, $3  }
0x1: {  	(tag) =	ssettag $0x0;
	lr =	simm.s32 $0x1  }
0x2: {  	[smem:$0x3F9A] =	sst lr;
	_ =	strace $0xD0000000  }
0x3: {  	_ = 	snop  }
0x4: {  	_ = 	snop  }
0x5: {  	_ = 	snop  }
0x6: {  	_ = 	snop  }
0x7: {  	_ = 	snop  }
__scs_overlays_trampoline_lowered:
0x8: {  	[smem:$0x3FA9] =	sst s0  }
0x9: {  	[smem:$0x3FAA] =	sst s1  }
0xa: {  	[smem:$0x3FAB] =	sst s2  }
0xb: {  	[smem:$0x3FAC] =	sst s3  }
0xc: {  	[smem:$0x3FAD] =	sst s4  }
0xd: {  	[smem:$0x3FAE] =	sst s5  }
0xe: {  	[smem:$0x3FAF] =	sst s6  }
0xf: {  	[smem:$0x3FB0] =	sst s7  }
0x10: {  	[smem:$0x3FB1] =	sst s8  }
0x11: {  	[smem:$0x3FB2] =	sst s9;
	s0 =	simm.s32 @!p0 $0x0  }
0x12: {  	s1 =	sld [smem:$0x3F98];
	s0 =	simm.s32 @p0 $0x1  }
0x13: {  	[smem:$0x3FB3] =	sst s0;
	s0 =	simm.s32 @!p1 $0x0  }
0x14: {  	s2 =	sld [smem:$0x3F97];
	s0 =	simm.s32 @p1 $0x1  }
0x15: {  	[smem:$0x3FB4] =	sst s0;
	s0 =	simm.s32 @!p2 $0x0  }
0x16: {  	s3 =	sld [smem:$0x3FDB];
	s0 =	simm.s32 @p2 $0x1  }
0x17: {  	s4 =	simm.s32 $0x1BF5;
	[smem:$0x3FB6] =	sst s0  }
0x18: {  	s0 =	sld [smem:$0x3F99];
	_ =	swait.ge [sflag:s4], $0x0  }
0x19: {  	s7 =	sld [smem:$0x3F9A]  }
0x1a: {  	s8 =	sadd.s32 $0xFFFFE003, lr  }
0x1b: {  	s9 =	sadd.s32 $0xFFFFFEF7, lr;
	s5 =	simm.s32 $0xFFFFFFFF;
	p2 =	slt.u32 s8, $0xFFFFF086  }
0x1c: {  	p1 =	slt.u32 s9, $0xF7A;
	s5 =	simm.s32 @!p2 $0x0  }
0x1d: {  	s5 =	simm.s32 @p1 $0x1;
	p0 =	seq.s32 s7, s2  }
0x1e: {  	s7 =	smul.u32 @!p0 $0xF7A, s2;
	p2 =	seq.s32 @!p0 s5, $0x0  }
0x1f: {  	s9 =	smul.u32 $0xF7A, s1;
	s8 =	simm.s32 @!p0 $0x1BF5;
	p2 =	por !p2, p0  }
0x20: {  	[sflag:s8] =	ssyncset.s32 @!p0 $0xFFFFF086;
	s6 =	sadd.s32 @!p0 s3, s7;
	s7 =	simm.s32 @!p0 $0x108  }
0x21: {  	s3 =	sadd.s32 s3, s9;
	s6 =	sadd.s32 @!p0 $0x88, s6;
	s7 =	simm.s32 @p2 $0x1082  }
0x22: {  	[simem:s7], [sflag:s8] =	dma.local @!p0 [hbm:s6], $0xF7A  }
0x23: {  	s9 =	sor.u32 $0xD0000000, s2;
	s6 =	simm.s32 $0x108;
	_ =	swait.ge @!p0 [sflag:s8], $0x0  }
0x24: {  	s3 =	sadd.s32 $0x88, s3;
	s6 =	simm.s32 @!p1 $0x1082;
	[sflag:s4] =	ssyncset.s32 $0xFFFFF086  }
0x25: {  	[simem:s6], [sflag:s4] =	dma.local [hbm:s3], $0xF7A  }
0x26: {  	[smem:$0x3F9A] =	sst s1;
	(tag) =	ssettag s2;
	_ =	strace s9  }
0x27: {  	s1 =	sld [smem:$0x3FAA]  }
0x28: {  	s2 =	sld [smem:$0x3FAB]  }
0x29: {  	s4 =	sld [smem:$0x3FAD]  }
0x2a: {  	p0 =	seq.s32 s5, $0x0;
	s5 =	sld [smem:$0x3FAE]  }
0x2b: {  	s6 =	sld [smem:$0x3FAF]  }
0x2c: {  	s7 =	sld [smem:$0x3FB0]  }
0x2d: {  	s3 =	simm.s32 $0x108;
	s8 =	sld [smem:$0x3FB1]  }
0x2e: {  	s3 =	simm.s32 @!p0 $0x1082;
	s9 =	sld [smem:$0x3FB2]  }
0x2f: {  	lr =	sadd.s32 s0, s3;
	s0 =	sld [smem:$0x3FA9]  }
0x30: {  	s3 =	sld [smem:$0x3FAC]  }
0x31: {  	[smem:$0x3FB5] =	sst s10  }
0x32: {  	s10 =	sld [smem:$0x3FB3];
	_ =	sdelay $0x3  }
0x33: {  	p0 =	seq.s32 s10, $0x1;
	s10 =	sld [smem:$0x3FB5];
	_ =	sdelay $0x3  }
0x34: {  	[smem:$0x3FB5] =	sst s10  }
0x35: {  	s10 =	sld [smem:$0x3FB4];
	_ =	sdelay $0x3  }
0x36: {  	p1 =	seq.s32 s10, $0x1;
	s10 =	sld [smem:$0x3FB5];
	_ =	sdelay $0x3  }
0x37: {  	[smem:$0x3FB5] =	sst s10  }
0x38: {  	s10 =	sld [smem:$0x3FB6]  }
0x39: {  	_ = 	snop;
	(pc) =	sbr.ind lr, $3  }
0x3a: {  	_ = 	snop  }
0x3b: {  	_ = 	snop  }
0x3c: {  	p2 =	seq.s32 s10, $0x1;
	s10 =	sld [smem:$0x3FB5]  }
0x3d: {  	_ =	shalt  }
0x3e: {  	_ =	shalt  }
0x3f: {  	_ =	shalt  }
0x40: {  	_ =	shalt  }
0x41: {  	_ =	shalt  }
0x42: {  	_ =	shalt  }
0x43: {  	_ =	shalt  }
0x44: {  	_ =	shalt  }
0x45: {  	_ =	shalt  }
0x46: {  	_ =	shalt  }
0x47: {  	_ =	shalt  }
0x48: {  	_ =	shalt  }
0x49: {  	_ =	shalt  }
0x4a: {  	_ =	shalt  }
0x4b: {  	_ =	shalt  }
0x4c: {  	_ =	shalt  }
0x4d: {  	_ =	shalt  }
0x4e: {  	_ =	shalt  }
0x4f: {  	_ =	shalt  }
0x50: {  	_ =	shalt  }
0x51: {  	_ =	shalt  }
0x52: {  	_ =	shalt  }
0x53: {  	_ =	shalt  }
0x54: {  	_ =	shalt  }
0x55: {  	_ =	shalt  }
0x56: {  	_ =	shalt  }
0x57: {  	_ =	shalt  }
0x58: {  	_ =	shalt  }
0x59: {  	_ =	shalt  }
0x5a: {  	_ =	shalt  }
0x5b: {  	_ =	shalt  }
0x5c: {  	_ =	shalt  }
0x5d: {  	_ =	shalt  }
0x5e: {  	_ =	shalt  }
0x5f: {  	_ =	shalt  }
0x60: {  	_ =	shalt  }
0x61: {  	_ =	shalt  }
0x62: {  	_ =	shalt  }
0x63: {  	_ =	shalt  }
0x64: {  	_ =	shalt  }
0x65: {  	_ =	shalt  }
0x66: {  	_ =	shalt  }
0x67: {  	_ =	shalt  }
0x68: {  	_ =	shalt  }
0x69: {  	_ =	shalt  }
0x6a: {  	_ =	shalt  }
0x6b: {  	_ =	shalt  }
0x6c: {  	_ =	shalt  }
0x6d: {  	_ =	shalt  }
0x6e: {  	_ =	shalt  }
0x6f: {  	_ =	shalt  }
0x70: {  	_ =	shalt  }
0x71: {  	_ =	shalt  }
0x72: {  	_ =	shalt  }
0x73: {  	_ =	shalt  }
0x74: {  	_ =	shalt  }
0x75: {  	_ =	shalt  }
0x76: {  	_ =	shalt  }
0x77: {  	_ =	shalt  }
0x78: {  	_ =	shalt  }
0x79: {  	_ =	shalt  }
0x7a: {  	_ =	shalt  }
0x7b: {  	_ =	shalt  }
0x7c: {  	_ =	shalt  }
0x7d: {  	_ =	shalt  }
0x7e: {  	_ =	shalt  }
0x7f: {  	_ =	shalt  }
0x80: {  	_ =	shalt  }
0x81: {  	_ =	shalt  }
0x82: {  	_ =	shalt  }
0x83: {  	_ =	shalt  }
0x84: {  	_ =	shalt  }
0x85: {  	_ =	shalt  }
0x86: {  	_ =	shalt  }
0x87: {  	_ =	shalt  }
.Lfunc_end0:
.L_simem_size_0:
called_computation_lowered:
.L_overlay_start_0:
0x88: {  	s2 =	sld [smem:$0x3FD9]  }
0x89: {  	s3 =	sld [smem:$0x3FFE];
	_ =	sdelay $0x1  }
0x8a: {  	s1 =	srdreg.scid  }
0x8b: {  	s0 =	sand.u32 $0x1, s1  }
0x8c: {  	s17 =	sshll.u32 s0, $0xA;
	s2 =	sadd.s32 s3, s2  }
0x8d: {  	s2 =	sadd.s32 s2, s17  }
0x8e: {  	[smem:$0x3FC1] =	sst s2  }
0x8f: {  	_ = 	snop  }
0x90: {  	s2 =	sld [smem:$0x3FD0];
	(tm) =	ssettm $0x1  }
0x91: {  	s18 =	sld [smem:$0x3FFB];
	_ =	sdelay $0x3  }
0x92: {  	_ =	strace s18  }
0x93: {  	s3 =	sld [smem:$0x3FFC];
	_ =	sdelay $0x3  }
0x94: {  	_ =	strace s3  }
0x95: {  	s3 =	sld [smem:$0x3FFD];
	_ =	sdelay $0x3  }
0x96: {  	_ =	strace s3  }
0x97: {  	_ =	strace $0x8FFFFFFF  }
0x98: {  	s19 =	sld [smem:$0x3FDB];
	_ =	sdelay $0x1  }
0x99: {  	s4 =	simm.s32 $_scs_section_size  }
0x9a: {  	s5 =	simm.s32 $_size__tile_overlayer_lowered;
	s6 =	simm.s32 $_tile_overlayer_lowered  }
0x9b: {  	s22 =	simm.s32 $0x1BFF;
	s21 =	sshll.u32 s6, $0x1;
	s3 =	sadd.s32 s4, s19  }
0x9c: {  	s7 =	simm.s32 $0x0;
	s20 =	sshll.u32 s5, $0x1;
	s5 =	sadd.s32 s21, s3  }
0x9d: {  	[timem:s7], [sflag:s22] =	dma.local [hbm:s5], s20  }
0x9e: {  	_ =	swait.ge [sflag:s22], s20  }
0x9f: {  	s4 =	ssub.s32 $0x0, s20;
	[sflag:s22] =	ssyncset.done $0x0  }
0xa0: {  	[sflag:s22] =	ssyncadd.s32 s4;
	_ =	sdelay $0x1  }
0xa1: {  	s23 =	simm.s32 $0x1B8B  }
0xa2: {  	_ =	swait.ge [sflag:s23], $0x1  }
0xa3: {  	[sflag:s23] =	ssyncset.done $0x0  }
0xa4: {  	s25 =	simm.s32 $0x1B8E;
	s24 =	sld [smem:$0x3FFE];
	[sflag:s23] =	ssyncadd.s32 $0xFFFFFFFF  }
0xa5: {  	s26 =	simm.s32 $execute0_lowered;
	[smem:$0x3FD2] =	sst s25  }
0xa6: {  	s5 =	sshll.u32 s26, $0x1;
	_ =	strace $0x80000046;
	[dreg:$0x1] =	wrdreg $0xFFFFFFFF  }
0xa7: {  	s28 =	simm.s32 $_size_execute0_lowered;
	s3 =	sadd.s32 s3, s5;
	[dreg:$0x0] =	wrdreg $0x0  }
0xa8: {  	s5 =	sshll.u32 s28, $0x1;
	[dreg:$0x2] =	wrdreg s3  }
0xa9: {  	[dreg:$0x3] =	wrdreg s5  }
0xaa: {  	[dreg:$0x4] =	wrdreg $0xC0  }
0xab: {  	_ =	task [dreg:s7], $0x5FFFF  }
0xac: {  	[dreg:$0x1] =	wrdreg $0xFFFFFFFF  }
0xad: {  	[dreg:$0x0] =	wrdreg $0x60  }
0xae: {  	[dreg:$0x2] =	wrdreg s24  }
0xaf: {  	[dreg:$0x3] =	wrdreg s2  }
0xb0: {  	[dreg:$0x4] =	wrdreg $0x9  }
0xb1: {  	_ =	task.clear_ibuf [dreg:s7], $0x5FFFF;
	_ =	strace $0x90000046  }
0xb2: {  	s29 =	simm.s32 $0x9;
	_ =	strace $0x80000048  }
0xb3: {  	_ =	swait.ge [sflag:s29], $0x1  }
0xb4: {  	[sflag:s29] =	ssyncadd.s32 $0xFFFFFFFF  }
0xb5: {  	_ =	strace $0x90000048  }
0xb6: {  	_ =	sfence  }
0xb7: {  	s30 =	sld [smem:$0x0];
	_ =	sdelay $0x2  }
0xb8: {  	s31 =	sshll.u32 s1, $0xD;
	s1 =	sshrl.u32 s1, $0x2  }
0xb9: {  	s3 =	sand.u32 $0x4000, s31;
	s1 =	sadd.s32 s1, s30  }
0xba: {  	s0 =	sor.u32 s3, s0;
	s1 =	sshll.u32 s1, $0x11  }
0xbb: {  	s0 =	sor.u32 s1, s0  }
0xbc: {  	s0 =	sadd.s32 $0x8F2B, s0  }
0xbd: {  	[sflag:s0] =	ssyncadd.remote.s32 $0x1  }
0xbe: {  	_ =	sfence.sel $0xFFFF  }
0xbf: {  	[dreg:$0x0] =	wrdreg $0xFFFFFFFF;
	(pc) =	sbr.abs _section_cstart, $3  }
0xc0: {  	[dreg:$0x1] =	wrdreg $0xFFFFFFFF  }
0xc1: {  	_ =	task.clear_ibuf [dreg:s7], $0x2FFFF;
	_ =	strace $0x9FFFFFFF  }
0xc2: {  	(tm) =	ssettm $0x7FFFFFFF  }
0xc3: {  	_ =	shalt  }
tec
execute0_lowered:
.L_overlay_start_1:
0x0: {  	(tag) =	ssettag $0x1  }
0x1: {  	s0 =	srdreg.scid  }
0x2: {  	s2 =	stileid.u32;
	s1 =	rddreg [dreg:$0x0]  }
0x3: {  	s19 =	simm.s32 $0x3300;
	s20 =	simm.s32 $0x5300;
	s21 =	simm.s32 $0x7300  }
0x4: {  	s22 =	simm.s32 $0x9300;
	s23 =	simm.s32 $0xB300;
	s24 =	simm.s32 $0xD300  }
0x5: {  	s28 =	simm.s32 $0x2;
	s30 =	simm.s32 $0x11B00;
	s31 =	simm.s32 $0x12300  }
0x6: {  	s8 =	simm.s32 $0x0;
	s0 =	sand.u32 $0x1, s0;
	s3 =	sshll.u32 s2, $0x1  }
0x7: {  	s2 =	rddreg [dreg:$0x1];
	s6 =	sor.u32 s0, s3;
	s3 =	simm.s32 $0x0  }
0x8: {  	s0 =	ssub.s32 $0x2, s0;
	s4 =	smul.u32 $0x1900, s6;
	[smem:$0x7FF] =	sst s3  }
0x9: {  	s25 =	sshrl.u32 s0, $0x1;
	p0 =	seq.s32 s6, $0x1F;
	s6 =	simm.s32 $0x32  }
0xa: {  	_ =	strace $0x80000047;
	s0 =	ssub.s32 s0, s25;
	s6 =	simm.s32 @!p0 $0xC8  }
0xb: {  	s25 =	simm.s32 $0xF300;
	s5 =	sshrl.u32 s4, $0x3;
	s9 =	sadd.s32 $0x30D40, s4  }
0xc: {  	s10 =	sadd.s32 $0x61A80, s4;
	s11 =	sadd.s32 $0x927C0, s4;
	s12 =	sadd.s32 $0xC3500, s4  }
.Ltmp0:
0xd: {  	s13 =	sadd.s32 $0xF4240, s4;
	s14 =	sadd.s32 $0x124F80, s4;
	(pc) =	sbr.rel .LBB2_1-.Ltmp0, $4  }
0xe: {  	s15 =	sadd.s32 $0x155CC0, s4;
	s0 =	smax.u32 s0, $0x1;
	s7 =	sadd.s32 s5, s1  }
0xf: {  	v3 =	vlaneseq.u32;
	s5 =	sadd.s32 $0x25000, s1;
	[dreg:$0x5] =	wrdreg s0;
	s26 =	sadd.s32 $0x1EC00, s7  }
0x10: {  	v0 =	vimm.s32 $0x0;
	vm0 =	vmmov $0xffff;
	v2 =	vshrl.u32 v3, $0x3;
	s1 =	simm.s32 $0x12B00;
	s29 =	sadd.s32 $0x18800, s7;
	[dreg:$0x3] =	wrdreg s26  }
0x11: {  	v1 =	vand.u32 $0x7, v3;
	v3 =	vor.u32 $0x8, v3;
	v2 =	vmul.u32 $0x8, v2;
	s0 =	simm.s32 $0x1;
	[dreg:$0x4] =	wrdreg s29;
	s26 =	simm.s32 $0x11300  }
.LBB2_16:
0x12: {  	[sflag:s28] =	ssyncadd.s32 $0xFFFFE000  }
.LBB2_17:
0x13: {  	s8 =	sadd.s32 $0x1, s8;
	s7 =	rddreg [dreg:$0x5]  }
0x14: {  	p0 =	sne.s32 s8, s7  }
.Ltmp1:
0x15: {  	_ = 	snop;
	(pc) =	sbr.rel @!p0 .LBB2_18-.Ltmp1, $1  }
0x16: {  	_ =	sdelay $0x3  }
.LBB2_1:
0x17: {  	[dreg:$0x6] =	wrdreg s8  }
0x18: {  	s7 =	rddreg [dreg:$0x3];
	s18 =	simm.s32 $0x3  }
0x19: {  	[tilespmem:s3], [sflag:$0x3] =	stream.linear.gather [hbm4b:s7+s3], $0x1900, $0x38;
	[tilespmem:$0x13300] =	vst v63  }
0x1a: {  	_ =	swait.ge [sflag:s18], $0x1900  }
0x1b: {  	s16 =	simm.s32 $0x1900;
	[sflag:s18] =	ssyncset.done $0x0  }
.Ltmp2:
0x1c: {  	s29 =	rddreg [dreg:$0x4];
	[sflag:s18] =	ssyncadd.s32 $0xFFFFE700;
	(pc) =	sbr.rel .LBB2_2-.Ltmp2, $4  }
0x1d: {  	[tilespmem:s16], [sflag:$0x3] =	stream.linear.gather [hbm4b:s29+s3], $0x1900, $0x38;
	[tilespmem:$0x13300] =	vst v63  }
0x1e: {  	_ =	swait.ge [sflag:s18], $0x1900  }
0x1f: {  	[sflag:s18] =	ssyncset.done $0x0  }
0x20: {  	s7 =	simm.s32 $0x0;
	[sflag:s18] =	ssyncadd.s32 $0xFFFFE700;
	s18 =	simm.s32 $0x0  }
.LBB2_11:
0x21: {  	[sflag:s28] =	ssyncadd.s32 $0xFFFFE000  }
.LBB2_12:
0x22: {  	p0 =	sgt.s32 s8, $0x0;
	s7 =	sadd.s32 $0x1, s7  }
0x23: {  	s8 =	simm.s32 @!p0 $0x0;
	p0 =	seq.s32 s7, s6  }
.Ltmp3:
0x24: {  	_ = 	snop;
	(pc) =	sbr.rel @p0 .LBB2_13-.Ltmp3, $3  }
0x25: {  	_ =	sdelay $0x1  }
0x26: {  	s16 =	sadd.s32 $0x8, s18  }
0x27: {  	s18 =	ssub.s32 s16, s8  }
.LBB2_2:
0x28: {  	s8 =	sshll.u32 s7, $0x5  }
0x29: {  	v5 =	vld [tilespmem:s8+$0x0]  }
0x2a: {  	p0 =	sgt.s32 s8, $0x20;
	s16 =	smov.u32 s8;
	v4 =	vld [tilespmem:s8+$0x1900]  }
0x2b: {  	v8 =	vld [tilespmem:s8+$0x10];
	s16 =	simm.s32 @!p0 $0x20  }
0x2c: {  	v6 =	vld [tilespmem:s16+$0xFFFFFFE0]  }
0x2d: {  	v7 =	vld [tilespmem:s16+$0x18E0]  }
0x2e: {  	v10 =	vld [tilespmem:s8+$0x1910]  }
0x2f: {  	v9 =	vld [tilespmem:s16+$0xFFFFFFF0]  }
0x30: {  	v11 =	vld [tilespmem:s16+$0x18F0]  }
0x31: {  	vm1 =	vlt.f32 v5, v6;
	vm2 =	vgt.f32 v5, v6  }
0x32: {  	vm3 =	vgt.f32 v4, v7;
	vm1 =	vmor vm2, vm1;
	vm2 =	vlt.f32 v4, v7  }
0x33: {  	v6 =	vsel vm1, $0x1, v0;
	vm1 =	vmor vm3, vm2  }
0x34: {  	vm2 =	vlt.f32 v8, v9;
	vm3 =	vgt.f32 v8, v9;
	v7 =	vsel vm1, $0x1, v0  }
0x35: {  	vm1 =	vmor vm3, vm2;
	vm2 =	vlt.f32 v10, v11;
	vm3 =	vgt.f32 v10, v11  }
0x36: {  	v63 =	vsel vm1, $0x1, v0;
	vm1 =	vmor vm3, vm2;
	v6 =	vadd.s32 v6, v7  }
0x37: {  	v7 =	vsel vm1, $0x1, v0;
	v6 =	vadd.s32 v63, v6  }
0x38: {  	v6 =	vadd.s32 v7, v6  }
0x39: {  	(v2sf) =	vpush v6, $0x0  }
0x3a: {  	(v2sf) =	vpush v6, $0x1  }
0x3b: {  	(v2sf) =	vpush v6, $0x2  }
0x3c: {  	(v2sf) =	vpush v6, $0x3  }
0x3d: {  	(v2sf) =	vpush v6, $0x4  }
0x3e: {  	(v2sf) =	vpush v6, $0x5  }
0x3f: {  	(v2sf) =	vpush v6, $0x6  }
0x40: {  	(v2sf) =	vpush v6, $0x7  }
0x41: {  	(v2sf) =	vpush v6, $0x8  }
0x42: {  	(v2sf) =	vpush v6, $0x9  }
0x43: {  	(v2sf) =	vpush v6, $0xA  }
0x44: {  	(v2sf) =	vpush v6, $0xB  }
0x45: {  	(v2sf) =	vpush v6, $0xC  }
0x46: {  	(v2sf) =	vpush v6, $0xD  }
0x47: {  	(v2sf) =	vpush v6, $0xE  }
0x48: {  	s16 =	spop (v2sf);
	(v2sf) =	vpush v6, $0xF  }
0x49: {  	s17 =	spop (v2sf)  }
0x4a: {  	s29 =	spop (v2sf)  }
0x4b: {  	s16 =	sadd.s32 s17, s16;
	s17 =	spop (v2sf)  }
0x4c: {  	s16 =	sadd.s32 s29, s16;
	s29 =	spop (v2sf)  }
0x4d: {  	s16 =	sadd.s32 s17, s16;
	s17 =	spop (v2sf)  }
0x4e: {  	s16 =	sadd.s32 s29, s16;
	s29 =	spop (v2sf)  }
0x4f: {  	s16 =	sadd.s32 s17, s16;
	s17 =	spop (v2sf)  }
0x50: {  	s16 =	sadd.s32 s29, s16;
	s29 =	spop (v2sf)  }
0x51: {  	s16 =	sadd.s32 s17, s16;
	s17 =	spop (v2sf)  }
0x52: {  	s16 =	sadd.s32 s29, s16;
	s29 =	spop (v2sf)  }
0x53: {  	s16 =	sadd.s32 s17, s16;
	s17 =	spop (v2sf)  }
0x54: {  	s16 =	sadd.s32 s29, s16;
	s29 =	spop (v2sf)  }
0x55: {  	s16 =	sadd.s32 s17, s16;
	s17 =	spop (v2sf)  }
0x56: {  	s16 =	sadd.s32 s29, s16;
	s29 =	spop (v2sf)  }
0x57: {  	s16 =	sadd.s32 s17, s16;
	s17 =	spop (v2sf)  }
0x58: {  	s16 =	sadd.s32 s29, s16;
	s17 =	ssub.s32 $0x0, s17  }
0x59: {  	p6 =	sne.s32 s7, $0x0;
	p1 =	seq.s32 s16, s17  }
0x5a: {  	p0 =	por !p6, !p1  }
0x5b: {  	p0 =	por !p0, !p0  }
.Ltmp4:
0x5c: {  	_ = 	snop;
	(pc) =	sbr.rel @p0 .LBB2_8-.Ltmp4, $1  }
0x5d: {  	_ =	sdelay $0x3  }
0x5e: {  	p1 =	slt.s32 s18, $0x1  }
.Ltmp5:
0x5f: {  	_ = 	snop;
	(pc) =	sbr.rel @p1 .LBB2_7-.Ltmp5, $2  }
0x60: {  	_ =	sdelay $0x2  }
0x61: {  	s16 =	sor.u32 $0x10, s8  }
0x62: {  	p1 =	sne.s32 s18, $0x1  }
.Ltmp6:
0x63: {  	_ = 	snop;
	(pc) =	sbr.rel @!p1 .LBB2_6-.Ltmp6, $3  }
0x64: {  	_ =	sdelay $0x1  }
0x65: {  	_ =	swait.ge [sflag:s28], $0x2000  }
0x66: {  	s17 =	sadd.s32 $0xFFFFFFFF, s18;
	[sflag:s28] =	ssyncset.done $0x0  }
.LBB2_5:
0x67: {  	p1 =	sne.s32 s17, $0x1;
	s17 =	sadd.s32 $0xFFFFFFFF, s17;
	[sflag:s28] =	ssyncadd.s32 $0xFFFFE000  }
.Ltmp7:
0x68: {  	(pc) =	sbr.rel @p1 .LBB2_5-.Ltmp7, $3  }
0x69: {  	_ =	sdelay $0x1  }
0x6a: {  	_ =	swait.ge [sflag:s28], $0x2000  }
0x6b: {  	[sflag:s28] =	ssyncset.done $0x0  }
.LBB2_6:
0x6c: {  	[sflag:s28] =	ssyncadd.s32 $0xFFFFE000  }
.LBB2_7:
0x6d: {  	v6 =	vtrunc.f32 v5  }
0x6e: {  	v7 =	vcvt.f32.s32 v6;
	vm1 =	vlt.f32 v5, v6;
	v5 =	vtrunc.f32 v4  }
0x6f: {  	v6 =	vsel vm1, $0xFFFFFFFF, v0;
	v8 =	vcvt.f32.s32 v5;
	vm1 =	vlt.f32 v4, v5  }
0x70: {  	v4 =	vadd.s32 v7, v6;
	v5 =	vsel vm1, $0xFFFFFFFF, v0  }
0x71: {  	v5 =	vadd.s32 v8, v5;
	vm1 =	vgt.s32 v4, $0x0  }
0x72: {  	v6 =	vnsel vm1, $0x0, v4;
	vm1 =	vgt.s32 v5, $0x0;
	v54 =	vadd.s32 $0x1, v5  }
0x73: {  	v4 =	vadd.s32 $0x1, v4;
	v5 =	vnsel vm1, $0x0, v5;
	vm1 =	vgt.s32 v54, $0x0  }
0x74: {  	v6 =	vmin.u32 v6, $0x7F;
	v5 =	vmin.u32 v5, $0x7F;
	v7 =	vnsel vm1, $0x0, v54  }
0x75: {  	vm1 =	vgt.s32 v4, $0x0;
	v7 =	vmin.u32 v7, $0x7F;
	v5 =	vshll.u32 v5, $0x7  }
0x76: {  	v4 =	vnsel vm1, $0x0, v4;
	v55 =	vor.u32 v6, v5;
	v7 =	vshll.u32 v7, $0x7  }
0x77: {  	v4 =	vmin.u32 v4, $0x7F;
	v9 =	vor.u32 v6, v7;
	[tilespmem:$0x3200] =	vst v55  }
0x78: {  	v5 =	vor.u32 v4, v5;
	[tilespmem:$0x3220] =	vst v9  }
0x79: {  	v4 =	vor.u32 v4, v7;
	[tilespmem:$0x3240] =	vst v5  }
0x7a: {  	v56 =	vor.u32 $0x4000, v55;
	[tilespmem:$0x3260] =	vst v4  }
0x7b: {  	[tilespmem:$0x3280] =	vst v56;
	v57 =	vor.u32 $0x4000, v9  }
0x7c: {  	v5 =	vor.u32 $0x4000, v5;
	[tilespmem:$0x32A0] =	vst v57  }
0x7d: {  	v4 =	vor.u32 $0x4000, v4;
	[tilespmem:$0x32C0] =	vst v5  }
0x7e: {  	[tilespmem:$0x32E0] =	vst v4  }
0x7f: {  	v4 =	vld [tilespmem:s16+$0x0]  }
0x80: {  	v5 =	vld [tilespmem:s16+$0x1900];
	_ =	sdelay $0x3  }
0x81: {  	v8 =	vshll.u32 v55, $0x1;
	v58 =	vtrunc.f32 v4  }
0x82: {  	v59 =	vcvt.f32.s32 v58;
	vm1 =	vlt.f32 v4, v58;
	v4 =	vtrunc.f32 v5  }
0x83: {  	v7 =	vsel vm1, $0xFFFFFFFF, v0;
	v10 =	vcvt.f32.s32 v4;
	vm1 =	vlt.f32 v5, v4  }
0x84: {  	v6 =	vand.u32 $0x7, v6;
	v4 =	vadd.s32 v59, v7;
	v5 =	vsel vm1, $0xFFFFFFFF, v0  }
0x85: {  	v8 =	vand.u32 $0x7FF0, v8;
	v5 =	vadd.s32 v10, v5;
	vm1 =	vgt.s32 v4, $0x0  }
0x86: {  	v7 =	vnsel vm1, $0x0, v4;
	v4 =	vadd.s32 $0x1, v4;
	vm1 =	vgt.s32 v5, $0x0  }
0x87: {  	v60 =	vnsel vm1, $0x0, v5;
	vm1 =	vgt.s32 v4, $0x0;
	v5 =	vadd.s32 $0x1, v5  }
0x88: {  	v4 =	vnsel vm1, $0x0, v4;
	v9 =	vmin.u32 v60, $0x7F;
	vm1 =	vgt.s32 v5, $0x0  }
0x89: {  	v7 =	vmin.u32 v7, $0x7F;
	v5 =	vnsel vm1, $0x0, v5;
	v9 =	vshll.u32 v9, $0x7  }
0x8a: {  	v4 =	vmin.u32 v4, $0x7F;
	v5 =	vmin.u32 v5, $0x7F;
	v61 =	vor.u32 v7, v9  }
0x8b: {  	v6 =	vor.u32 v6, v8;
	v62 =	vor.u32 v4, v9;
	v5 =	vshll.u32 v5, $0x7;
	[tilespmem:$0x3210] =	vst v61  }
0x8c: {  	v63 =	vperm.xlane v6, v1;
	[tilespmem:$0x3250] =	vst v62;
	v7 =	vor.u32 v7, v5  }
0x8d: {  	v4 =	vor.u32 v4, v5;
	[tilespmem:$0x3230] =	vst v7  }
0x8e: {  	v6 =	vperm.xlane v6, v3;
	v9 =	vadd.s32 v2, v63;
	v5 =	vor.u32 $0x4000, v61;
	[tilespmem:$0x3270] =	vst v4  }
0x8f: {  	[tilespmem:$0x3290] =	vst v5;
	v5 =	vor.u32 $0x4000, v7  }
0x90: {  	v6 =	vadd.s32 v2, v6;
	v4 =	vor.u32 $0x4000, v4;
	[tilespmem:$0x32B0] =	vst v5  }
0x91: {  	v5 =	vor.u32 $0x4000, v62;
	[tilespmem:$0x32F0] =	vst v4  }
0x92: {  	[tilespmem:$0x32D0] =	vst v5  }
0x93: {  	[tilespmem:s19], [sflag:$0x1] =	stream.indirect_vreg.gather [hbm4b:s2+s3], $0x80, v9, vm0, $0xb8;
	[tilespmem:$0x13300] =	vst v63  }
0x94: {  	s29 =	simm.s32 $0x3B00  }
0x95: {  	[tilespmem:s29], [sflag:$0x1] =	stream.indirect_vreg.gather [hbm4b:s2+s3], $0x80, v6, vm0, $0xb8;
	[tilespmem:$0x13300] =	vst v63  }
0x96: {  	v4 =	vld [tilespmem:$0x3210];
	_ =	sdelay $0x4  }
0x97: {  	v5 =	vshll.u32 v4, $0x1  }
0x98: {  	v4 =	vand.u32 $0x7, v4;
	v5 =	vand.u32 $0xFFFFFFF0, v5  }
0x99: {  	v4 =	vor.u32 v4, v5  }
0x9a: {  	v5 =	vperm.xlane v4, v1;
	_ =	sdelay $0x1  }
0x9b: {  	v4 =	vperm.xlane v4, v3;
	v5 =	vadd.s32 v2, v5;
	_ =	sdelay $0x1  }
0x9c: {  	v4 =	vadd.s32 v2, v4;
	_ =	sdelay $0x1  }
0x9d: {  	s17 =	simm.s32 $0x4300  }
0x9e: {  	[tilespmem:s17], [sflag:$0x1] =	stream.indirect_vreg.gather [hbm4b:s2+s3], $0x80, v5, vm0, $0xb8;
	[tilespmem:$0x13300] =	vst v63  }
0x9f: {  	s29 =	simm.s32 $0x4B00  }
0xa0: {  	[tilespmem:s29], [sflag:$0x1] =	stream.indirect_vreg.gather [hbm4b:s2+s3], $0x80, v4, vm0, $0xb8;
	[tilespmem:$0x13300] =	vst v63  }
0xa1: {  	v4 =	vld [tilespmem:$0x3220];
	_ =	sdelay $0x4  }
0xa2: {  	v5 =	vshll.u32 v4, $0x1  }
0xa3: {  	v4 =	vand.u32 $0x7, v4;
	v5 =	vand.u32 $0xFFFFFFF0, v5  }
0xa4: {  	v4 =	vor.u32 v4, v5  }
0xa5: {  	v5 =	vperm.xlane v4, v1;
	_ =	sdelay $0x1  }
0xa6: {  	v4 =	vperm.xlane v4, v3;
	v5 =	vadd.s32 v2, v5;
	_ =	sdelay $0x1  }
0xa7: {  	v4 =	vadd.s32 v2, v4;
	_ =	sdelay $0x2  }
0xa8: {  	[tilespmem:s20], [sflag:$0x1] =	stream.indirect_vreg.gather [hbm4b:s2+s3], $0x80, v5, vm0, $0xb8;
	[tilespmem:$0x13300] =	vst v63  }
0xa9: {  	s17 =	simm.s32 $0x5B00  }
0xaa: {  	[tilespmem:s17], [sflag:$0x1] =	stream.indirect_vreg.gather [hbm4b:s2+s3], $0x80, v4, vm0, $0xb8;
	[tilespmem:$0x13300] =	vst v63  }
0xab: {  	v4 =	vld [tilespmem:$0x3230];
	_ =	sdelay $0x4  }
0xac: {  	v5 =	vshll.u32 v4, $0x1  }
0xad: {  	v4 =	vand.u32 $0x7, v4;
	v5 =	vand.u32 $0xFFFFFFF0, v5  }
0xae: {  	v4 =	vor.u32 v4, v5  }
0xaf: {  	v5 =	vperm.xlane v4, v1;
	_ =	sdelay $0x1  }
0xb0: {  	v4 =	vperm.xlane v4, v3;
	v5 =	vadd.s32 v2, v5;
	_ =	sdelay $0x1  }
0xb1: {  	v4 =	vadd.s32 v2, v4;
	_ =	sdelay $0x1  }
0xb2: {  	s29 =	simm.s32 $0x6300  }
0xb3: {  	[tilespmem:s29], [sflag:$0x1] =	stream.indirect_vreg.gather [hbm4b:s2+s3], $0x80, v5, vm0, $0xb8;
	[tilespmem:$0x13300] =	vst v63  }
0xb4: {  	s17 =	simm.s32 $0x6B00  }
0xb5: {  	[tilespmem:s17], [sflag:$0x1] =	stream.indirect_vreg.gather [hbm4b:s2+s3], $0x80, v4, vm0, $0xb8;
	[tilespmem:$0x13300] =	vst v63  }
0xb6: {  	v4 =	vld [tilespmem:$0x3240];
	_ =	sdelay $0x4  }
0xb7: {  	v5 =	vshll.u32 v4, $0x1  }
0xb8: {  	v4 =	vand.u32 $0x7, v4;
	v5 =	vand.u32 $0xFFFFFFF0, v5  }
0xb9: {  	v4 =	vor.u32 v4, v5  }
0xba: {  	v5 =	vperm.xlane v4, v1;
	_ =	sdelay $0x1  }
0xbb: {  	v4 =	vperm.xlane v4, v3;
	v5 =	vadd.s32 v2, v5;
	_ =	sdelay $0x1  }
0xbc: {  	v4 =	vadd.s32 v2, v4;
	_ =	sdelay $0x2  }
0xbd: {  	[tilespmem:s21], [sflag:$0x1] =	stream.indirect_vreg.gather [hbm4b:s2+s3], $0x80, v5, vm0, $0xb8;
	[tilespmem:$0x13300] =	vst v63  }
0xbe: {  	s29 =	simm.s32 $0x7B00  }
0xbf: {  	[tilespmem:s29], [sflag:$0x1] =	stream.indirect_vreg.gather [hbm4b:s2+s3], $0x80, v4, vm0, $0xb8;
	[tilespmem:$0x13300] =	vst v63  }
0xc0: {  	v4 =	vld [tilespmem:$0x3250];
	_ =	sdelay $0x4  }
0xc1: {  	v5 =	vshll.u32 v4, $0x1  }
0xc2: {  	v4 =	vand.u32 $0x7, v4;
	v5 =	vand.u32 $0xFFFFFFF0, v5  }
0xc3: {  	v4 =	vor.u32 v4, v5  }
0xc4: {  	v5 =	vperm.xlane v4, v1;
	_ =	sdelay $0x1  }
0xc5: {  	v4 =	vperm.xlane v4, v3;
	v5 =	vadd.s32 v2, v5;
	_ =	sdelay $0x1  }
0xc6: {  	v4 =	vadd.s32 v2, v4;
	_ =	sdelay $0x1  }
0xc7: {  	s17 =	simm.s32 $0x8300  }
0xc8: {  	[tilespmem:s17], [sflag:$0x1] =	stream.indirect_vreg.gather [hbm4b:s2+s3], $0x80, v5, vm0, $0xb8;
	[tilespmem:$0x13300] =	vst v63  }
0xc9: {  	s29 =	simm.s32 $0x8B00  }
0xca: {  	[tilespmem:s29], [sflag:$0x1] =	stream.indirect_vreg.gather [hbm4b:s2+s3], $0x80, v4, vm0, $0xb8;
	[tilespmem:$0x13300] =	vst v63  }
0xcb: {  	v4 =	vld [tilespmem:$0x3260];
	_ =	sdelay $0x4  }
0xcc: {  	v5 =	vshll.u32 v4, $0x1  }
0xcd: {  	v4 =	vand.u32 $0x7, v4;
	v5 =	vand.u32 $0xFFFFFFF0, v5  }
0xce: {  	v4 =	vor.u32 v4, v5  }
0xcf: {  	v5 =	vperm.xlane v4, v1;
	_ =	sdelay $0x1  }
0xd0: {  	v4 =	vperm.xlane v4, v3;
	v5 =	vadd.s32 v2, v5;
	_ =	sdelay $0x1  }
0xd1: {  	v4 =	vadd.s32 v2, v4;
	_ =	sdelay $0x2  }
0xd2: {  	[tilespmem:s22], [sflag:$0x1] =	stream.indirect_vreg.gather [hbm4b:s2+s3], $0x80, v5, vm0, $0xb8;
	[tilespmem:$0x13300] =	vst v63  }
0xd3: {  	s17 =	simm.s32 $0x9B00  }
0xd4: {  	[tilespmem:s17], [sflag:$0x1] =	stream.indirect_vreg.gather [hbm4b:s2+s3], $0x80, v4, vm0, $0xb8;
	[tilespmem:$0x13300] =	vst v63  }
0xd5: {  	v4 =	vld [tilespmem:$0x3270];
	_ =	sdelay $0x4  }
0xd6: {  	v5 =	vshll.u32 v4, $0x1  }
0xd7: {  	v4 =	vand.u32 $0x7, v4;
	v5 =	vand.u32 $0xFFFFFFF0, v5  }
0xd8: {  	v4 =	vor.u32 v4, v5  }
0xd9: {  	v5 =	vperm.xlane v4, v1;
	_ =	sdelay $0x1  }
0xda: {  	v4 =	vperm.xlane v4, v3;
	v5 =	vadd.s32 v2, v5;
	_ =	sdelay $0x1  }
0xdb: {  	v4 =	vadd.s32 v2, v4;
	_ =	sdelay $0x1  }
0xdc: {  	s29 =	simm.s32 $0xA300  }
0xdd: {  	[tilespmem:s29], [sflag:$0x1] =	stream.indirect_vreg.gather [hbm4b:s2+s3], $0x80, v5, vm0, $0xb8;
	[tilespmem:$0x13300] =	vst v63  }
0xde: {  	s17 =	simm.s32 $0xAB00  }
0xdf: {  	[tilespmem:s17], [sflag:$0x1] =	stream.indirect_vreg.gather [hbm4b:s2+s3], $0x80, v4, vm0, $0xb8;
	[tilespmem:$0x13300] =	vst v63  }
0xe0: {  	v4 =	vld [tilespmem:$0x3280];
	_ =	sdelay $0x4  }
0xe1: {  	v5 =	vshll.u32 v4, $0x1  }
0xe2: {  	v4 =	vand.u32 $0x7, v4;
	v5 =	vand.u32 $0xFFFFFFF0, v5  }
0xe3: {  	v4 =	vor.u32 v4, v5  }
0xe4: {  	v5 =	vperm.xlane v4, v1;
	_ =	sdelay $0x1  }
0xe5: {  	v4 =	vperm.xlane v4, v3;
	v5 =	vadd.s32 v2, v5;
	_ =	sdelay $0x1  }
0xe6: {  	v4 =	vadd.s32 v2, v4;
	_ =	sdelay $0x2  }
0xe7: {  	[tilespmem:s23], [sflag:$0x1] =	stream.indirect_vreg.gather [hbm4b:s2+s3], $0x80, v5, vm0, $0xb8;
	[tilespmem:$0x13300] =	vst v63  }
0xe8: {  	s29 =	simm.s32 $0xBB00  }
0xe9: {  	[tilespmem:s29], [sflag:$0x1] =	stream.indirect_vreg.gather [hbm4b:s2+s3], $0x80, v4, vm0, $0xb8;
	[tilespmem:$0x13300] =	vst v63  }
0xea: {  	v4 =	vld [tilespmem:$0x3290];
	_ =	sdelay $0x4  }
0xeb: {  	v5 =	vshll.u32 v4, $0x1  }
0xec: {  	v4 =	vand.u32 $0x7, v4;
	v5 =	vand.u32 $0xFFFFFFF0, v5  }
0xed: {  	v4 =	vor.u32 v4, v5  }
0xee: {  	v5 =	vperm.xlane v4, v1;
	_ =	sdelay $0x1  }
0xef: {  	v4 =	vperm.xlane v4, v3;
	v5 =	vadd.s32 v2, v5;
	_ =	sdelay $0x1  }
0xf0: {  	v4 =	vadd.s32 v2, v4;
	_ =	sdelay $0x1  }
0xf1: {  	s17 =	simm.s32 $0xC300  }
0xf2: {  	[tilespmem:s17], [sflag:$0x1] =	stream.indirect_vreg.gather [hbm4b:s2+s3], $0x80, v5, vm0, $0xb8;
	[tilespmem:$0x13300] =	vst v63  }
0xf3: {  	s29 =	simm.s32 $0xCB00  }
0xf4: {  	[tilespmem:s29], [sflag:$0x1] =	stream.indirect_vreg.gather [hbm4b:s2+s3], $0x80, v4, vm0, $0xb8;
	[tilespmem:$0x13300] =	vst v63  }
0xf5: {  	v4 =	vld [tilespmem:$0x32A0];
	_ =	sdelay $0x4  }
0xf6: {  	v5 =	vshll.u32 v4, $0x1  }
0xf7: {  	v4 =	vand.u32 $0x7, v4;
	v5 =	vand.u32 $0xFFFFFFF0, v5  }
0xf8: {  	v4 =	vor.u32 v4, v5  }
0xf9: {  	v5 =	vperm.xlane v4, v1;
	_ =	sdelay $0x1  }
0xfa: {  	v4 =	vperm.xlane v4, v3;
	v5 =	vadd.s32 v2, v5;
	_ =	sdelay $0x1  }
0xfb: {  	v4 =	vadd.s32 v2, v4;
	_ =	sdelay $0x2  }
0xfc: {  	[tilespmem:s24], [sflag:$0x1] =	stream.indirect_vreg.gather [hbm4b:s2+s3], $0x80, v5, vm0, $0xb8;
	[tilespmem:$0x13300] =	vst v63  }
0xfd: {  	s17 =	simm.s32 $0xDB00  }
0xfe: {  	[tilespmem:s17], [sflag:$0x1] =	stream.indirect_vreg.gather [hbm4b:s2+s3], $0x80, v4, vm0, $0xb8;
	[tilespmem:$0x13300] =	vst v63  }
0xff: {  	v4 =	vld [tilespmem:$0x32B0];
	_ =	sdelay $0x4  }
0x100: {  	v5 =	vshll.u32 v4, $0x1  }
0x101: {  	v4 =	vand.u32 $0x7, v4;
	v5 =	vand.u32 $0xFFFFFFF0, v5  }
0x102: {  	v4 =	vor.u32 v4, v5  }
0x103: {  	v5 =	vperm.xlane v4, v1;
	_ =	sdelay $0x1  }
0x104: {  	v4 =	vperm.xlane v4, v3;
	v5 =	vadd.s32 v2, v5;
	_ =	sdelay $0x1  }
0x105: {  	v4 =	vadd.s32 v2, v4;
	_ =	sdelay $0x1  }
0x106: {  	s29 =	simm.s32 $0xE300  }
0x107: {  	[tilespmem:s29], [sflag:$0x1] =	stream.indirect_vreg.gather [hbm4b:s2+s3], $0x80, v5, vm0, $0xb8;
	[tilespmem:$0x13300] =	vst v63  }
0x108: {  	s17 =	simm.s32 $0xEB00  }
0x109: {  	[tilespmem:s17], [sflag:$0x1] =	stream.indirect_vreg.gather [hbm4b:s2+s3], $0x80, v4, vm0, $0xb8;
	[tilespmem:$0x13300] =	vst v63  }
0x10a: {  	v4 =	vld [tilespmem:$0x32C0];
	_ =	sdelay $0x4  }
0x10b: {  	v5 =	vshll.u32 v4, $0x1  }
0x10c: {  	v4 =	vand.u32 $0x7, v4;
	v5 =	vand.u32 $0xFFFFFFF0, v5  }
0x10d: {  	v4 =	vor.u32 v4, v5  }
0x10e: {  	v5 =	vperm.xlane v4, v1;
	_ =	sdelay $0x1  }
0x10f: {  	v4 =	vperm.xlane v4, v3;
	v5 =	vadd.s32 v2, v5;
	_ =	sdelay $0x1  }
0x110: {  	v4 =	vadd.s32 v2, v4;
	_ =	sdelay $0x2  }
0x111: {  	[tilespmem:s25], [sflag:$0x1] =	stream.indirect_vreg.gather [hbm4b:s2+s3], $0x80, v5, vm0, $0xb8;
	[tilespmem:$0x13300] =	vst v63  }
0x112: {  	s29 =	simm.s32 $0xFB00  }
0x113: {  	[tilespmem:s29], [sflag:$0x1] =	stream.indirect_vreg.gather [hbm4b:s2+s3], $0x80, v4, vm0, $0xb8;
	[tilespmem:$0x13300] =	vst v63  }
0x114: {  	v4 =	vld [tilespmem:$0x32D0];
	_ =	sdelay $0x4  }
0x115: {  	v5 =	vshll.u32 v4, $0x1  }
0x116: {  	v4 =	vand.u32 $0x7, v4;
	v5 =	vand.u32 $0xFFFFFFF0, v5  }
0x117: {  	v4 =	vor.u32 v4, v5  }
0x118: {  	v5 =	vperm.xlane v4, v1;
	_ =	sdelay $0x1  }
0x119: {  	v4 =	vperm.xlane v4, v3;
	v5 =	vadd.s32 v2, v5;
	_ =	sdelay $0x1  }
0x11a: {  	v4 =	vadd.s32 v2, v4;
	_ =	sdelay $0x1  }
0x11b: {  	s17 =	simm.s32 $0x10300  }
0x11c: {  	[tilespmem:s17], [sflag:$0x1] =	stream.indirect_vreg.gather [hbm4b:s2+s3], $0x80, v5, vm0, $0xb8;
	[tilespmem:$0x13300] =	vst v63  }
0x11d: {  	s29 =	simm.s32 $0x10B00  }
0x11e: {  	[tilespmem:s29], [sflag:$0x1] =	stream.indirect_vreg.gather [hbm4b:s2+s3], $0x80, v4, vm0, $0xb8;
	[tilespmem:$0x13300] =	vst v63  }
0x11f: {  	v4 =	vld [tilespmem:$0x32E0];
	_ =	sdelay $0x4  }
0x120: {  	v5 =	vshll.u32 v4, $0x1  }
0x121: {  	v4 =	vand.u32 $0x7, v4;
	v5 =	vand.u32 $0xFFFFFFF0, v5  }
0x122: {  	v4 =	vor.u32 v4, v5  }
0x123: {  	v5 =	vperm.xlane v4, v1;
	_ =	sdelay $0x1  }
0x124: {  	v4 =	vperm.xlane v4, v3;
	v5 =	vadd.s32 v2, v5;
	_ =	sdelay $0x1  }
0x125: {  	v4 =	vadd.s32 v2, v4;
	_ =	sdelay $0x2  }
0x126: {  	[tilespmem:s26], [sflag:$0x1] =	stream.indirect_vreg.gather [hbm4b:s2+s3], $0x80, v5, vm0, $0xb8;
	[tilespmem:$0x13300] =	vst v63  }
0x127: {  	_ = 	snop  }
0x128: {  	[tilespmem:s30], [sflag:$0x1] =	stream.indirect_vreg.gather [hbm4b:s2+s3], $0x80, v4, vm0, $0xb8;
	[tilespmem:$0x13300] =	vst v63  }
0x129: {  	v4 =	vld [tilespmem:$0x32F0];
	_ =	sdelay $0x4  }
0x12a: {  	v5 =	vshll.u32 v4, $0x1  }
0x12b: {  	v4 =	vand.u32 $0x7, v4;
	v5 =	vand.u32 $0xFFFFFFF0, v5  }
0x12c: {  	v4 =	vor.u32 v4, v5  }
0x12d: {  	v5 =	vperm.xlane v4, v1;
	_ =	sdelay $0x1  }
0x12e: {  	v4 =	vperm.xlane v4, v3;
	v5 =	vadd.s32 v2, v5;
	_ =	sdelay $0x1  }
0x12f: {  	v4 =	vadd.s32 v2, v4;
	_ =	sdelay $0x2  }
0x130: {  	[tilespmem:s31], [sflag:$0x1] =	stream.indirect_vreg.gather [hbm4b:s2+s3], $0x80, v5, vm0, $0xb8;
	[tilespmem:$0x13300] =	vst v63  }
0x131: {  	_ = 	snop  }
0x132: {  	[tilespmem:s1], [sflag:$0x1] =	stream.indirect_vreg.gather [hbm4b:s2+s3], $0x80, v4, vm0, $0xb8;
	[tilespmem:$0x13300] =	vst v63  }
0x133: {  	_ =	swait.ge [sflag:s0], $0x10000  }
0x134: {  	[sflag:s0] =	ssyncset.done $0x0  }
0x135: {  	[sflag:s0] =	ssyncadd.s32 $0xFFFF0000  }
.LBB2_8:
0x136: {  	s16 =	sadd.s32 s4, s8  }
0x137: {  	s16 =	sshll.u32 s16, $0x5  }
0x138: {  	s29 =	sadd.s32 s8, s9;
	s16 =	sadd.s32 s5, s16  }
0x139: {  	[hbm4b:s16+s3] =	stream.linear.scatter [tilespmem:s19], [sflag:$0x2], $0x2000, $0x38;
	[tilespmem:$0x13300] =	vst v63  }
0x13a: {  	s16 =	sshll.u32 s29, $0x5  }
0x13b: {  	s17 =	sadd.s32 s8, s10;
	s16 =	sadd.s32 s5, s16  }
0x13c: {  	[hbm4b:s16+s3] =	stream.linear.scatter [tilespmem:s20], [sflag:$0x2], $0x2000, $0x38;
	[tilespmem:$0x13300] =	vst v63  }
0x13d: {  	s16 =	sshll.u32 s17, $0x5  }
0x13e: {  	s29 =	sadd.s32 s8, s11;
	s16 =	sadd.s32 s5, s16  }
0x13f: {  	[hbm4b:s16+s3] =	stream.linear.scatter [tilespmem:s21], [sflag:$0x2], $0x2000, $0x38;
	[tilespmem:$0x13300] =	vst v63  }
0x140: {  	s16 =	sshll.u32 s29, $0x5  }
0x141: {  	s17 =	sadd.s32 s8, s12;
	s16 =	sadd.s32 s5, s16  }
0x142: {  	[hbm4b:s16+s3] =	stream.linear.scatter [tilespmem:s22], [sflag:$0x2], $0x2000, $0x38;
	[tilespmem:$0x13300] =	vst v63  }
0x143: {  	s16 =	sshll.u32 s17, $0x5  }
0x144: {  	s29 =	sadd.s32 s8, s13;
	s16 =	sadd.s32 s5, s16  }
0x145: {  	[hbm4b:s16+s3] =	stream.linear.scatter [tilespmem:s23], [sflag:$0x2], $0x2000, $0x38;
	[tilespmem:$0x13300] =	vst v63  }
0x146: {  	s16 =	sshll.u32 s29, $0x5  }
0x147: {  	s17 =	sadd.s32 s8, s14;
	s16 =	sadd.s32 s5, s16  }
0x148: {  	[hbm4b:s16+s3] =	stream.linear.scatter [tilespmem:s24], [sflag:$0x2], $0x2000, $0x38;
	[tilespmem:$0x13300] =	vst v63  }
0x149: {  	s29 =	sadd.s32 s8, s15;
	s16 =	sshll.u32 s17, $0x5  }
0x14a: {  	s8 =	sshll.u32 s29, $0x5;
	s16 =	sadd.s32 s5, s16  }
0x14b: {  	[hbm4b:s16+s3] =	stream.linear.scatter [tilespmem:s25], [sflag:$0x2], $0x2000, $0x38;
	[tilespmem:$0x13300] =	vst v63  }
0x14c: {  	s18 =	simm.s32 @!p0 $0x0;
	s8 =	sadd.s32 s5, s8  }
0x14d: {  	[hbm4b:s8+s3] =	stream.linear.scatter [tilespmem:s26], [sflag:$0x2], $0x2000, $0x38;
	[tilespmem:$0x13300] =	vst v63  }
0x14e: {  	s8 =	sadd.s32 $0xFFFFFFF0, s18  }
0x14f: {  	p0 =	slt.s32 s8, $0x1  }
.Ltmp8:
0x150: {  	_ = 	snop;
	(pc) =	sbr.rel @p0 .LBB2_12-.Ltmp8, $1  }
0x151: {  	_ =	sdelay $0x3  }
0x152: {  	p0 =	sne.s32 s8, $0x1  }
.Ltmp9:
0x153: {  	_ = 	snop;
	(pc) =	sbr.rel @!p0 .LBB2_11-.Ltmp9, $3  }
0x154: {  	_ =	sdelay $0x1  }
0x155: {  	_ =	swait.ge [sflag:s28], $0x2000  }
0x156: {  	s16 =	sadd.s32 $0xFFFFFFFF, s8;
	[sflag:s28] =	ssyncset.done $0x0  }
.LBB2_10:
0x157: {  	p0 =	sne.s32 s16, $0x1;
	s16 =	sadd.s32 $0xFFFFFFFF, s16;
	[sflag:s28] =	ssyncadd.s32 $0xFFFFE000  }
.Ltmp10:
0x158: {  	(pc) =	sbr.rel @p0 .LBB2_10-.Ltmp10, $3  }
0x159: {  	_ =	sdelay $0x1  }
0x15a: {  	_ =	swait.ge [sflag:s28], $0x2000  }
0x15b: {  	[sflag:s28] =	ssyncset.done $0x0  }
.Ltmp11:
0x15c: {  	_ = 	snop;
	(pc) =	sbr.rel .LBB2_11-.Ltmp11, $1  }
0x15d: {  	_ =	sdelay $0x3  }
.LBB2_13:
0x15e: {  	p0 =	sgt.s32 s18, $0x0  }
.Ltmp12:
0x15f: {  	_ = 	snop;
	(pc) =	sbr.rel @!p0 .LBB2_17-.Ltmp12, $2  }
0x160: {  	_ =	sdelay $0x2  }
0x161: {  	s7 =	simm.s32 $0x0;
	s8 =	rddreg [dreg:$0x6]  }
0x162: {  	s7 =	sadd.s32 $0x1, s7  }
0x163: {  	p0 =	slt.s32 s7, s18  }
.Ltmp13:
0x164: {  	_ = 	snop;
	(pc) =	sbr.rel @!p0 .LBB2_16-.Ltmp13, $3  }
0x165: {  	_ =	sdelay $0x1  }
0x166: {  	_ =	swait.ge [sflag:s28], $0x2000  }
0x167: {  	[sflag:s28] =	ssyncset.done $0x0  }
.LBB2_15:
0x168: {  	s7 =	sadd.s32 $0x1, s7  }
0x169: {  	[sflag:s28] =	ssyncadd.s32 $0xFFFFE000;
	p0 =	slt.s32 s7, s18  }
.Ltmp14:
0x16a: {  	(pc) =	sbr.rel @p0 .LBB2_15-.Ltmp14, $3  }
0x16b: {  	_ =	sdelay $0x1  }
0x16c: {  	_ =	swait.ge [sflag:s28], $0x2000  }
0x16d: {  	[sflag:s28] =	ssyncset.done $0x0  }
.Ltmp15:
0x16e: {  	_ = 	snop;
	(pc) =	sbr.rel .LBB2_16-.Ltmp15, $1  }
0x16f: {  	_ =	sdelay $0x3  }
.LBB2_18:
0x170: {  	_ =	sfence.sel $0x180000  }
0x171: {  	[bflag:$0x0] =	sbarrier.arrive $0xFFFF  }
0x172: {  	_ =	strace $0x90000047  }
0x173: {  	s0 =	stileid.u32;
	[bflag:$0x2] =	sbarrier.arrive $0xFFFF  }
0x174: {  	p0 =	sne.s32 s0, $0x0;
	s0 =	rddreg [dreg:$0x2]  }
0x175: {  	s0 =	sadd.s32 @!p0 $0x100000, s0  }
0x176: {  	[sflag:s0] =	ssyncadd.tile.s32 @!p0 $0x1;
	_ =	shalt  }
.Lfunc_end2:
_tile_overlayer_lowered:
.L_overlay_start_2:
0x177: {  	(tag) =	ssettag $0x2  }
0x178: {  	s0 =	rddreg [dreg:$0x0];
	s2 =	stileid.u32  }
0x179: {  	s1 =	rddreg [dreg:$0x1];
	p0 =	sne.s32 s2, $0x0  }
0x17a: {  	s3 =	rddreg [dreg:$0x2];
	[bflag:$0x3] =	sbarrier.arrive $0xFFFF;
	s2 =	simm.s32 @!p0 $0x1C03  }
0x17b: {  	[timem:s3], [sflag:s2] =	dma.local @!p0 [hbm:s0], s1  }
0x17c: {  	s0 =	simm.s32 @!p0 $0x3  }
0x17d: {  	_ =	swait.ge @!p0 [sflag:s0], s1  }
0x17e: {  	s1 =	ssub.s32 @!p0 $0x0, s1;
	[sflag:s0] =	ssyncset.done @!p0 $0x0  }
0x17f: {  	[sflag:s0] =	ssyncadd.s32 @!p0 s1  }
0x180: {  	[bflag:$0x3] =	sbarrier.arrive $0xFFFF  }
0x181: {  	_ =	shalt  }

</sc_bundles>
